<compile_context>
chip_gen: v7x
topology: tpu7x:2x2x1
jax: 0.10.2.dev20260603
libtpu: 0.0.44.dev20260713+nightly
codegen_flags: <defaults>
</compile_context>

<pallas_src>
import functools

import jax
import jax.numpy as jnp
from jax import lax
from jax.experimental import pallas as pl
from jax.experimental.pallas import tpu as pltpu
from jax.experimental.pallas import tpu_sc as plsc

_N = 320000
_F = 128
_H = 128
_C = 64
_B = 10000

_R = 2560
_NTILES = 32
_NPAD = 327680
_ROWS_PER_TILE = _NPAD // _NTILES
_NS = 16
_BP = 10240
_SEG_PER_TILE = _BP // _NS
_CP = 128


def _producer_body(x_ref, s_ref, w1_ref, w2_ref, out_ref, *, n_real_blocks):
    i = pl.program_id(0)

    @pl.when(i < n_real_blocks)
    def _compute():
        h = jnp.maximum(
            jnp.dot(x_ref[...].astype(jnp.bfloat16), w1_ref[...],
                    preferred_element_type=jnp.float32),
            0.0)
        logits = jnp.dot(h.astype(jnp.bfloat16), w2_ref[...],
                         preferred_element_type=jnp.float32)
        out_ref[...] = logits * s_ref[...]

    @pl.when(i >= n_real_blocks)
    def _pad():
        out_ref[...] = jnp.zeros_like(out_ref)


def _producer(X, scores2d, W1, W2):
    n_real_blocks = _N // _R
    grid = _NPAD // _R
    clamp = n_real_blocks - 1
    body = functools.partial(_producer_body, n_real_blocks=n_real_blocks)
    return pl.pallas_call(
        body,
        grid=(grid,),
        in_specs=[
            pl.BlockSpec((_R, _F), lambda i: (jnp.minimum(i, clamp), 0)),
            pl.BlockSpec((_R, 1), lambda i: (jnp.minimum(i, clamp), 0)),
            pl.BlockSpec((_F, _H), lambda i: (0, 0)),
            pl.BlockSpec((_H, _CP), lambda i: (0, 0)),
        ],
        out_specs=pl.BlockSpec((_R, _CP), lambda i: (i, 0)),
        out_shape=jax.ShapeDtypeStruct((_NPAD, _CP), jnp.float32),
    )(X, scores2d, W1.astype(jnp.bfloat16),
      jnp.pad(W2, ((0, 0), (0, _CP - _C))).astype(jnp.bfloat16))


def _sc_scatter_body(wtd_hbm, idx_hbm, iota_hbm, zero_hbm, out_hbm,
                     rows_v, idx_v, iota_v, acc_sh, ld_sem_a, ld_sem_b):
    cid = lax.axis_index("c")
    sid = lax.axis_index("s")
    wid = cid * _NS + sid

    pltpu.sync_copy(iota_hbm.at[pl.ds(sid * 8, 8)], iota_v)
    pltpu.sync_copy(zero_hbm, rows_v)

    for r in range(5):
        pltpu.sync_copy(rows_v, acc_sh.at[iota_v.at[r]])
    plsc.subcore_barrier()

    base = wid * _ROWS_PER_TILE

    def group_body(k, _):
        off = base + k * 1024
        idx_off = pl.multiple_of(off // 128, 8)
        pltpu.sync_copy(idx_hbm.at[pl.ds(idx_off, 8)], idx_v)
        sems = (ld_sem_a, ld_sem_b)
        pending = pltpu.async_copy(wtd_hbm.at[pl.ds(off, 64)],
                                   rows_v.at[pl.ds(0, 64)], sems[0])
        for j in range(16):
            cur = (j % 2) * 64
            this_copy = pending
            if j < 15:
                nxt = ((j + 1) % 2) * 64
                pending = pltpu.async_copy(
                    wtd_hbm.at[pl.ds(off + (j + 1) * 64, 64)],
                    rows_v.at[pl.ds(nxt, 64)], sems[(j + 1) % 2])
            this_copy.wait()
            pltpu.sync_copy(rows_v.at[pl.ds(cur, 64)],
                            acc_sh.at[idx_v.at[j // 2, pl.ds(cur, 64)]],
                            add=True)
        return 0

    lax.fori_loop(0, _ROWS_PER_TILE // 1024, group_body, 0)
    plsc.subcore_barrier()

    for r in range(5):
        pltpu.sync_copy(acc_sh.at[iota_v.at[r]], rows_v)
        pltpu.sync_copy(
            rows_v,
            out_hbm.at[cid, pl.ds(sid * _SEG_PER_TILE + r * 128, 128)])


_sc_scatter = pl.kernel(
    _sc_scatter_body,
    mesh=plsc.VectorSubcoreMesh(core_axis_name="c", subcore_axis_name="s"),
    out_type=jax.ShapeDtypeStruct((2, _BP, _CP), jnp.float32),
    scratch_types=[
        pltpu.VMEM((128, _CP), jnp.float32),
        pltpu.VMEM((8, 128), jnp.int32),
        pltpu.VMEM((8, 128), jnp.int32),
        pltpu.VMEM_SHARED((_BP, _CP), jnp.float32),
        pltpu.SemaphoreType.DMA,
        pltpu.SemaphoreType.DMA,
    ],
)


def _combine_body(p_ref, o_ref):
    o_ref[...] = p_ref[0, 0:_B, 0:_C] + p_ref[1, 0:_B, 0:_C]


def _combine(partials):
    return pl.pallas_call(
        _combine_body,
        grid=(1,),
        in_specs=[pl.BlockSpec((2, _BP, _CP), lambda i: (0, 0, 0))],
        out_specs=pl.BlockSpec((_B, _C), lambda i: (0, 0)),
        out_shape=jax.ShapeDtypeStruct((_B, _C), jnp.float32),
    )(partials)


def _flush_iota():
    g = jnp.arange(128, dtype=jnp.int32)[:, None]
    lane = jnp.arange(128, dtype=jnp.int32)[None, :]
    sid, r = g // 8, g % 8
    return jnp.where(r < 5, sid * _SEG_PER_TILE + r * 128 + lane, 0)


def kernel(X, ppr_scores, ppr_idx, W1, W2):
    scores2d = ppr_scores.reshape(_N, 1)
    wtd = _producer(X, scores2d, W1, W2)
    idx_pad = jnp.pad(ppr_idx, (0, _NPAD - _N)).reshape(_NPAD // 128, 128)
    iota = _flush_iota()
    zeros = jnp.zeros((128, _CP), jnp.float32)
    partials = _sc_scatter(wtd, idx_pad, iota, zeros)
    return _combine(partials)

# --- scband reference (transcript-rebuilt; emitter-appended) ---
"""Pipeline reference for scband-pprgo-wrapper-50070728737389 (READ-ONLY COPY).

The authoritative reference and input builder live on the scoring server;
editing this copy changes nothing except your own understanding.
"""

import jax, jax.numpy as jnp
import numpy as np

N = 320000  # num_ppr_nodes
F = 128     # n_features
H = 128     # hidden (n_filters=[128])
C = 64      # n_classes
B = 10000   # batch_size (number of PPR source nodes)


def setup_inputs(seed: int = 0) -> dict:
    key = jax.random.key(seed)
    k1, k2, k3, k4, k5 = jax.random.split(key, 5)
    X = jax.random.normal(k1, (N, F), dtype=jnp.float32)
    ppr_scores = jax.random.uniform(k2, (N,), dtype=jnp.float32)
    ppr_idx = jnp.sort(jax.random.randint(k3, (N,), 0, B, dtype=jnp.int32))
    # force last index to B-1 so dim_size = ppr_idx[-1]+1 == B deterministically
    ppr_idx = ppr_idx.at[-1].set(B - 1)
    # Learned params: nn.Linear(F, H, bias=False) and nn.Linear(H, C, bias=False),
    # stored as [in, out] so y = x @ W (equivalent to torch x @ W.T with W=[out,in]).
    W1 = jax.random.normal(k4, (F, H), dtype=jnp.float32) * (1.0 / np.sqrt(F))
    W2 = jax.random.normal(k5, (H, C), dtype=jnp.float32) * (1.0 / np.sqrt(H))
    return {"X": X, "ppr_scores": ppr_scores, "ppr_idx": ppr_idx, "W1": W1, "W2": W2}


def reference(X, ppr_scores, ppr_idx, W1, W2):
    # PPRGoMLP: Linear -> ReLU -> Dropout(0.0, identity in eval) -> Linear
    h = jnp.maximum(X @ W1, 0.0)
    logits = h @ W2  # [N, C]
    # scatter(logits * ppr_scores[:, None], ppr_idx, dim=0, dim_size=ppr_idx[-1]+1, reduce='sum')
    # setup_inputs forces ppr_idx[-1] == B - 1 on every seed, so ppr_idx[-1] + 1 == B statically.
    num_segments = B
    weighted = logits * ppr_scores[:, None]
    propagated_logits = jax.ops.segment_sum(weighted, ppr_idx, num_segments=num_segments)
    return propagated_logits

if __name__ == "__main__":
    import jax
    _d = setup_inputs()
    print(jax.jit(kernel)(*tuple(_d.values())))

</pallas_src>

<mosaic_0001>
#map = affine_map<(d0, d1) -> (0, 0)>
#map1 = affine_map<(d0, d1) -> (0, 0, 0)>
module attributes {stable_mosaic.version = 14 : i64} {
  func.func @_sc_scatter_body(%arg0: i32, %arg1: i32, %arg2: memref<327680x128xf32, #tpu.memory_space<hbm>>, %arg3: memref<2560x128xi32, #tpu.memory_space<hbm>>, %arg4: memref<128x128xi32, #tpu.memory_space<hbm>>, %arg5: memref<128x128xf32, #tpu.memory_space<hbm>>, %arg6: memref<2x10240x128xf32, #tpu.memory_space<hbm>>, %arg7: memref<128x128xf32, #tpu.memory_space<vmem>>, %arg8: memref<8x128xi32, #tpu.memory_space<vmem>>, %arg9: memref<8x128xi32, #tpu.memory_space<vmem>>, %arg10: memref<10240x128xf32, #tpu.memory_space<vmem_shared>>, %arg11: memref<!tpu.dma_semaphore, #tpu.memory_space<semaphore_mem>>, %arg12: memref<!tpu.dma_semaphore, #tpu.memory_space<semaphore_mem>>) attributes {dimension_semantics = [#tpu.dimension_semantics<core_parallel>, #tpu.dimension_semantics<subcore_parallel>], iteration_bounds = array<i64: 2, 16>, scalar_prefetch = 0 : i64, scratch_operands = 6 : i64, tpu.core_type = #tpu.core_type<sc_vector_subcore>, window_params = [{transform_indices = #map}, {transform_indices = #map}, {transform_indices = #map}, {transform_indices = #map}, {transform_indices = #map1}]} {
    %mul3A = arith.constant 16 : i32
    %mul3A_0 = arith.muli %arg0, %mul3A : i32
    %add3A = arith.addi %mul3A_0, %arg1 : i32
    %mul3A_1 = arith.constant 8 : i32
    %mul3A_2 = arith.muli %arg1, %mul3A_1 : i32
    "tpu.region"() ({
      %run_scoped3A_41 = tpu.sem_alloc : memref<!tpu.dma_semaphore, #tpu.memory_space<semaphore_mem>>
      %dma_start3A = arith.constant 0 : i32
      %dma_start3A_42 = tpu.memref_slice %arg4[%mul3A_2, %dma_start3A] : memref<128x128xi32, #tpu.memory_space<hbm>> -> memref<8x128xi32, #tpu.memory_space<hbm>>
      %dma_start3A_43 = arith.constant 0 : i32
      %dma_start3A_44 = tpu.memref_slice %arg4[%mul3A_2, %dma_start3A_43] : memref<128x128xi32, #tpu.memory_space<hbm>> -> memref<8x128xi32, #tpu.memory_space<hbm>>
      tpu.enqueue_dma source(%dma_start3A_44 : memref<8x128xi32, #tpu.memory_space<hbm>>) target(%arg9 : memref<8x128xi32, #tpu.memory_space<vmem>>) target_semaphore(%run_scoped3A_41 : memref<!tpu.dma_semaphore, #tpu.memory_space<semaphore_mem>>)
      %dma_wait3A = arith.constant 0 : i32
      %dma_wait3A_45 = tpu.memref_slice %arg4[%mul3A_2, %dma_wait3A] : memref<128x128xi32, #tpu.memory_space<hbm>> -> memref<8x128xi32, #tpu.memory_space<hbm>>
      %dma_wait3A_46 = arith.constant 0 : i32
      %dma_wait3A_47 = tpu.memref_slice %arg4[%mul3A_2, %dma_wait3A_46] : memref<128x128xi32, #tpu.memory_space<hbm>> -> memref<8x128xi32, #tpu.memory_space<hbm>>
      tpu.wait_dma2 semaphore(%run_scoped3A_41 : memref<!tpu.dma_semaphore, #tpu.memory_space<semaphore_mem>>) src(%dma_wait3A_47 : memref<8x128xi32, #tpu.memory_space<hbm>>) dst(%arg9 : memref<8x128xi32, #tpu.memory_space<vmem>>)
      tpu.yield
    }) : () -> ()
    "tpu.region"() ({
      %run_scoped3A_41 = tpu.sem_alloc : memref<!tpu.dma_semaphore, #tpu.memory_space<semaphore_mem>>
      tpu.enqueue_dma source(%arg5 : memref<128x128xf32, #tpu.memory_space<hbm>>) target(%arg7 : memref<128x128xf32, #tpu.memory_space<vmem>>) target_semaphore(%run_scoped3A_41 : memref<!tpu.dma_semaphore, #tpu.memory_space<semaphore_mem>>)
      tpu.wait_dma2 semaphore(%run_scoped3A_41 : memref<!tpu.dma_semaphore, #tpu.memory_space<semaphore_mem>>) src(%arg5 : memref<128x128xf32, #tpu.memory_space<hbm>>) dst(%arg7 : memref<128x128xf32, #tpu.memory_space<vmem>>)
      tpu.yield
    }) : () -> ()
    %run_scoped3A = arith.constant 0 : i32
    "tpu.region"() ({
      %run_scoped3A_41 = tpu.sem_alloc : memref<!tpu.dma_semaphore, #tpu.memory_space<semaphore_mem>>
      %dma_start3A = arith.constant 0 : i32
      %dma_start3A_42 = tpu.memref_slice %arg9[%run_scoped3A, %dma_start3A] : memref<8x128xi32, #tpu.memory_space<vmem>> -> memref<1x128xi32, #tpu.memory_space<vmem>>
      %dma_start3A_43 = tpu.memref_squeeze %dma_start3A_42 : memref<1x128xi32, #tpu.memory_space<vmem>> -> memref<128xi32, #tpu.memory_space<vmem>>
      %dma_start3A_44 = arith.constant 0 : i32
      %dma_start3A_45 = arith.constant 0 : i32
      %dma_start3A_46 = tpu.memref_slice %arg10[%dma_start3A_44, %dma_start3A_45] : memref<10240x128xf32, #tpu.memory_space<vmem_shared>> -> memref<10240x128xf32, #tpu.memory_space<vmem_shared>>
      tpu.enqueue_indirect_dma source(%arg7 : memref<128x128xf32, #tpu.memory_space<vmem>>) target(%dma_start3A_46 : memref<10240x128xf32, #tpu.memory_space<vmem_shared>>) offsets(%dma_start3A_43 : memref<128xi32, #tpu.memory_space<vmem>>) semaphore(%run_scoped3A_41 : memref<!tpu.dma_semaphore, #tpu.memory_space<semaphore_mem>>)
      %dma_wait3A = arith.constant 0 : i32
      %dma_wait3A_47 = tpu.memref_slice %arg9[%run_scoped3A, %dma_wait3A] : memref<8x128xi32, #tpu.memory_space<vmem>> -> memref<1x128xi32, #tpu.memory_space<vmem>>
      %dma_wait3A_48 = tpu.memref_squeeze %dma_wait3A_47 : memref<1x128xi32, #tpu.memory_space<vmem>> -> memref<128xi32, #tpu.memory_space<vmem>>
      %dma_wait3A_49 = arith.constant 0 : i32
      %dma_wait3A_50 = arith.constant 0 : i32
      %dma_wait3A_51 = tpu.memref_slice %arg10[%dma_wait3A_49, %dma_wait3A_50] : memref<10240x128xf32, #tpu.memory_space<vmem_shared>> -> memref<10240x128xf32, #tpu.memory_space<vmem_shared>>
      tpu.wait_indirect_dma semaphore(%run_scoped3A_41 : memref<!tpu.dma_semaphore, #tpu.memory_space<semaphore_mem>>) src(%arg7 : memref<128x128xf32, #tpu.memory_space<vmem>>) dst(%dma_wait3A_51 : memref<10240x128xf32, #tpu.memory_space<vmem_shared>>)
      tpu.yield
    }) : () -> ()
    %run_scoped3A_3 = arith.constant 1 : i32
    "tpu.region"() ({
      %run_scoped3A_41 = tpu.sem_alloc : memref<!tpu.dma_semaphore, #tpu.memory_space<semaphore_mem>>
      %dma_start3A = arith.constant 0 : i32
      %dma_start3A_42 = tpu.memref_slice %arg9[%run_scoped3A_3, %dma_start3A] : memref<8x128xi32, #tpu.memory_space<vmem>> -> memref<1x128xi32, #tpu.memory_space<vmem>>
      %dma_start3A_43 = tpu.memref_squeeze %dma_start3A_42 : memref<1x128xi32, #tpu.memory_space<vmem>> -> memref<128xi32, #tpu.memory_space<vmem>>
      %dma_start3A_44 = arith.constant 0 : i32
      %dma_start3A_45 = arith.constant 0 : i32
      %dma_start3A_46 = tpu.memref_slice %arg10[%dma_start3A_44, %dma_start3A_45] : memref<10240x128xf32, #tpu.memory_space<vmem_shared>> -> memref<10240x128xf32, #tpu.memory_space<vmem_shared>>
      tpu.enqueue_indirect_dma source(%arg7 : memref<128x128xf32, #tpu.memory_space<vmem>>) target(%dma_start3A_46 : memref<10240x128xf32, #tpu.memory_space<vmem_shared>>) offsets(%dma_start3A_43 : memref<128xi32, #tpu.memory_space<vmem>>) semaphore(%run_scoped3A_41 : memref<!tpu.dma_semaphore, #tpu.memory_space<semaphore_mem>>)
      %dma_wait3A = arith.constant 0 : i32
      %dma_wait3A_47 = tpu.memref_slice %arg9[%run_scoped3A_3, %dma_wait3A] : memref<8x128xi32, #tpu.memory_space<vmem>> -> memref<1x128xi32, #tpu.memory_space<vmem>>
      %dma_wait3A_48 = tpu.memref_squeeze %dma_wait3A_47 : memref<1x128xi32, #tpu.memory_space<vmem>> -> memref<128xi32, #tpu.memory_space<vmem>>
      %dma_wait3A_49 = arith.constant 0 : i32
      %dma_wait3A_50 = arith.constant 0 : i32
      %dma_wait3A_51 = tpu.memref_slice %arg10[%dma_wait3A_49, %dma_wait3A_50] : memref<10240x128xf32, #tpu.memory_space<vmem_shared>> -> memref<10240x128xf32, #tpu.memory_space<vmem_shared>>
      tpu.wait_indirect_dma semaphore(%run_scoped3A_41 : memref<!tpu.dma_semaphore, #tpu.memory_space<semaphore_mem>>) src(%arg7 : memref<128x128xf32, #tpu.memory_space<vmem>>) dst(%dma_wait3A_51 : memref<10240x128xf32, #tpu.memory_space<vmem_shared>>)
      tpu.yield
    }) : () -> ()
    %run_scoped3A_4 = arith.constant 2 : i32
    "tpu.region"() ({
      %run_scoped3A_41 = tpu.sem_alloc : memref<!tpu.dma_semaphore, #tpu.memory_space<semaphore_mem>>
      %dma_start3A = arith.constant 0 : i32
      %dma_start3A_42 = tpu.memref_slice %arg9[%run_scoped3A_4, %dma_start3A] : memref<8x128xi32, #tpu.memory_space<vmem>> -> memref<1x128xi32, #tpu.memory_space<vmem>>
      %dma_start3A_43 = tpu.memref_squeeze %dma_start3A_42 : memref<1x128xi32, #tpu.memory_space<vmem>> -> memref<128xi32, #tpu.memory_space<vmem>>
      %dma_start3A_44 = arith.constant 0 : i32
      %dma_start3A_45 = arith.constant 0 : i32
      %dma_start3A_46 = tpu.memref_slice %arg10[%dma_start3A_44, %dma_start3A_45] : memref<10240x128xf32, #tpu.memory_space<vmem_shared>> -> memref<10240x128xf32, #tpu.memory_space<vmem_shared>>
      tpu.enqueue_indirect_dma source(%arg7 : memref<128x128xf32, #tpu.memory_space<vmem>>) target(%dma_start3A_46 : memref<10240x128xf32, #tpu.memory_space<vmem_shared>>) offsets(%dma_start3A_43 : memref<128xi32, #tpu.memory_space<vmem>>) semaphore(%run_scoped3A_41 : memref<!tpu.dma_semaphore, #tpu.memory_space<semaphore_mem>>)
      %dma_wait3A = arith.constant 0 : i32
      %dma_wait3A_47 = tpu.memref_slice %arg9[%run_scoped3A_4, %dma_wait3A] : memref<8x128xi32, #tpu.memory_space<vmem>> -> memref<1x128xi32, #tpu.memory_space<vmem>>
      %dma_wait3A_48 = tpu.memref_squeeze %dma_wait3A_47 : memref<1x128xi32, #tpu.memory_space<vmem>> -> memref<128xi32, #tpu.memory_space<vmem>>
      %dma_wait3A_49 = arith.constant 0 : i32
      %dma_wait3A_50 = arith.constant 0 : i32
      %dma_wait3A_51 = tpu.memref_slice %arg10[%dma_wait3A_49, %dma_wait3A_50] : memref<10240x128xf32, #tpu.memory_space<vmem_shared>> -> memref<10240x128xf32, #tpu.memory_space<vmem_shared>>
      tpu.wait_indirect_dma semaphore(%run_scoped3A_41 : memref<!tpu.dma_semaphore, #tpu.memory_space<semaphore_mem>>) src(%arg7 : memref<128x128xf32, #tpu.memory_space<vmem>>) dst(%dma_wait3A_51 : memref<10240x128xf32, #tpu.memory_space<vmem_shared>>)
      tpu.yield
    }) : () -> ()
    %run_scoped3A_5 = arith.constant 3 : i32
    "tpu.region"() ({
      %run_scoped3A_41 = tpu.sem_alloc : memref<!tpu.dma_semaphore, #tpu.memory_space<semaphore_mem>>
      %dma_start3A = arith.constant 0 : i32
      %dma_start3A_42 = tpu.memref_slice %arg9[%run_scoped3A_5, %dma_start3A] : memref<8x128xi32, #tpu.memory_space<vmem>> -> memref<1x128xi32, #tpu.memory_space<vmem>>
      %dma_start3A_43 = tpu.memref_squeeze %dma_start3A_42 : memref<1x128xi32, #tpu.memory_space<vmem>> -> memref<128xi32, #tpu.memory_space<vmem>>
      %dma_start3A_44 = arith.constant 0 : i32
      %dma_start3A_45 = arith.constant 0 : i32
      %dma_start3A_46 = tpu.memref_slice %arg10[%dma_start3A_44, %dma_start3A_45] : memref<10240x128xf32, #tpu.memory_space<vmem_shared>> -> memref<10240x128xf32, #tpu.memory_space<vmem_shared>>
      tpu.enqueue_indirect_dma source(%arg7 : memref<128x128xf32, #tpu.memory_space<vmem>>) target(%dma_start3A_46 : memref<10240x128xf32, #tpu.memory_space<vmem_shared>>) offsets(%dma_start3A_43 : memref<128xi32, #tpu.memory_space<vmem>>) semaphore(%run_scoped3A_41 : memref<!tpu.dma_semaphore, #tpu.memory_space<semaphore_mem>>)
      %dma_wait3A = arith.constant 0 : i32
      %dma_wait3A_47 = tpu.memref_slice %arg9[%run_scoped3A_5, %dma_wait3A] : memref<8x128xi32, #tpu.memory_space<vmem>> -> memref<1x128xi32, #tpu.memory_space<vmem>>
      %dma_wait3A_48 = tpu.memref_squeeze %dma_wait3A_47 : memref<1x128xi32, #tpu.memory_space<vmem>> -> memref<128xi32, #tpu.memory_space<vmem>>
      %dma_wait3A_49 = arith.constant 0 : i32
      %dma_wait3A_50 = arith.constant 0 : i32
      %dma_wait3A_51 = tpu.memref_slice %arg10[%dma_wait3A_49, %dma_wait3A_50] : memref<10240x128xf32, #tpu.memory_space<vmem_shared>> -> memref<10240x128xf32, #tpu.memory_space<vmem_shared>>
      tpu.wait_indirect_dma semaphore(%run_scoped3A_41 : memref<!tpu.dma_semaphore, #tpu.memory_space<semaphore_mem>>) src(%arg7 : memref<128x128xf32, #tpu.memory_space<vmem>>) dst(%dma_wait3A_51 : memref<10240x128xf32, #tpu.memory_space<vmem_shared>>)
      tpu.yield
    }) : () -> ()
    %run_scoped3A_6 = arith.constant 4 : i32
    "tpu.region"() ({
      %run_scoped3A_41 = tpu.sem_alloc : memref<!tpu.dma_semaphore, #tpu.memory_space<semaphore_mem>>
      %dma_start3A = arith.constant 0 : i32
      %dma_start3A_42 = tpu.memref_slice %arg9[%run_scoped3A_6, %dma_start3A] : memref<8x128xi32, #tpu.memory_space<vmem>> -> memref<1x128xi32, #tpu.memory_space<vmem>>
      %dma_start3A_43 = tpu.memref_squeeze %dma_start3A_42 : memref<1x128xi32, #tpu.memory_space<vmem>> -> memref<128xi32, #tpu.memory_space<vmem>>
      %dma_start3A_44 = arith.constant 0 : i32
      %dma_start3A_45 = arith.constant 0 : i32
      %dma_start3A_46 = tpu.memref_slice %arg10[%dma_start3A_44, %dma_start3A_45] : memref<10240x128xf32, #tpu.memory_space<vmem_shared>> -> memref<10240x128xf32, #tpu.memory_space<vmem_shared>>
      tpu.enqueue_indirect_dma source(%arg7 : memref<128x128xf32, #tpu.memory_space<vmem>>) target(%dma_start3A_46 : memref<10240x128xf32, #tpu.memory_space<vmem_shared>>) offsets(%dma_start3A_43 : memref<128xi32, #tpu.memory_space<vmem>>) semaphore(%run_scoped3A_41 : memref<!tpu.dma_semaphore, #tpu.memory_space<semaphore_mem>>)
      %dma_wait3A = arith.constant 0 : i32
      %dma_wait3A_47 = tpu.memref_slice %arg9[%run_scoped3A_6, %dma_wait3A] : memref<8x128xi32, #tpu.memory_space<vmem>> -> memref<1x128xi32, #tpu.memory_space<vmem>>
      %dma_wait3A_48 = tpu.memref_squeeze %dma_wait3A_47 : memref<1x128xi32, #tpu.memory_space<vmem>> -> memref<128xi32, #tpu.memory_space<vmem>>
      %dma_wait3A_49 = arith.constant 0 : i32
      %dma_wait3A_50 = arith.constant 0 : i32
      %dma_wait3A_51 = tpu.memref_slice %arg10[%dma_wait3A_49, %dma_wait3A_50] : memref<10240x128xf32, #tpu.memory_space<vmem_shared>> -> memref<10240x128xf32, #tpu.memory_space<vmem_shared>>
      tpu.wait_indirect_dma semaphore(%run_scoped3A_41 : memref<!tpu.dma_semaphore, #tpu.memory_space<semaphore_mem>>) src(%arg7 : memref<128x128xf32, #tpu.memory_space<vmem>>) dst(%dma_wait3A_51 : memref<10240x128xf32, #tpu.memory_space<vmem_shared>>)
      tpu.yield
    }) : () -> ()
    %barrier3A = arith.constant 0 : index
    tpu.barrier barrier_id(%barrier3A)
    %mul3A_7 = arith.constant 10240 : i32
    %mul3A_8 = arith.muli %add3A, %mul3A_7 : i32
    %scan3A = arith.constant 0 : i32
    %scan3A_9 = arith.constant 0 : i32
    %scan3A_10 = arith.constant 10 : i32
    %scan3A_11 = arith.addi %scan3A_9, %scan3A_10 : i32
    %scan3A_12 = arith.constant 1 : i32
    %scan3A_13 = scf.for %scan3A_41 = %scan3A_9 to %scan3A_11 step %scan3A_12 iter_args(%scan3A_42 = %scan3A) -> (i32)  : i32 {
      %mul3A_43 = arith.constant 1024 : i32
      %mul3A_44 = arith.muli %scan3A_41, %mul3A_43 : i32
      %add3A_45 = arith.addi %mul3A_8, %mul3A_44 : i32
      %jit3A = arith.constant 128 : i32
      %div3A = arith.divsi %add3A_45, %jit3A : i32
      %sign3A = arith.constant 0 : i32
      %sign3A_46 = arith.cmpi sgt, %add3A_45, %sign3A : i32
      %sign3A_47 = arith.extui %sign3A_46 : i1 to i32
      %sign3A_48 = arith.constant 0 : i32
      %sign3A_49 = arith.cmpi slt, %add3A_45, %sign3A_48 : i32
      %sign3A_50 = arith.extui %sign3A_49 : i1 to i32
      %sign3A_51 = arith.subi %sign3A_47, %sign3A_50 : i32
      %sign3A_52 = arith.constant 0 : i32
      %sign3A_53 = arith.cmpi sgt, %jit3A, %sign3A_52 : i32
      %sign3A_54 = arith.extui %sign3A_53 : i1 to i32
      %sign3A_55 = arith.constant 0 : i32
      %sign3A_56 = arith.cmpi slt, %jit3A, %sign3A_55 : i32
      %sign3A_57 = arith.extui %sign3A_56 : i1 to i32
      %sign3A_58 = arith.subi %sign3A_54, %sign3A_57 : i32
      %ne3A = arith.cmpi ne, %sign3A_51, %sign3A_58 : i32
      %rem3A = arith.remsi %add3A_45, %jit3A : i32
      %ne3A_59 = arith.constant 0 : i32
      %ne3A_60 = arith.cmpi ne, %rem3A, %ne3A_59 : i32
      %and3A = arith.andi %ne3A, %ne3A_60 : i1
      %sub3A = arith.constant 1 : i32
      %sub3A_61 = arith.subi %div3A, %sub3A : i32
      %select_n3A = arith.select %and3A, %sub3A_61, %div3A : i32
      %multiple_of3A = tpu.assume_multiple %select_n3A, 8 : i32
      "tpu.region"() ({
        %run_scoped3A_427 = tpu.sem_alloc : memref<!tpu.dma_semaphore, #tpu.memory_space<semaphore_mem>>
        %dma_start3A_428 = arith.constant 0 : i32
        %dma_start3A_429 = tpu.memref_slice %arg3[%multiple_of3A, %dma_start3A_428] : memref<2560x128xi32, #tpu.memory_space<hbm>> -> memref<8x128xi32, #tpu.memory_space<hbm>>
        %dma_start3A_430 = arith.constant 0 : i32
        %dma_start3A_431 = tpu.memref_slice %arg3[%multiple_of3A, %dma_start3A_430] : memref<2560x128xi32, #tpu.memory_space<hbm>> -> memref<8x128xi32, #tpu.memory_space<hbm>>
        tpu.enqueue_dma source(%dma_start3A_431 : memref<8x128xi32, #tpu.memory_space<hbm>>) target(%arg8 : memref<8x128xi32, #tpu.memory_space<vmem>>) target_semaphore(%run_scoped3A_427 : memref<!tpu.dma_semaphore, #tpu.memory_space<semaphore_mem>>)
        %dma_wait3A_432 = arith.constant 0 : i32
        %dma_wait3A_433 = tpu.memref_slice %arg3[%multiple_of3A, %dma_wait3A_432] : memref<2560x128xi32, #tpu.memory_space<hbm>> -> memref<8x128xi32, #tpu.memory_space<hbm>>
        %dma_wait3A_434 = arith.constant 0 : i32
        %dma_wait3A_435 = tpu.memref_slice %arg3[%multiple_of3A, %dma_wait3A_434] : memref<2560x128xi32, #tpu.memory_space<hbm>> -> memref<8x128xi32, #tpu.memory_space<hbm>>
        tpu.wait_dma2 semaphore(%run_scoped3A_427 : memref<!tpu.dma_semaphore, #tpu.memory_space<semaphore_mem>>) src(%dma_wait3A_435 : memref<8x128xi32, #tpu.memory_space<hbm>>) dst(%arg8 : memref<8x128xi32, #tpu.memory_space<vmem>>)
        tpu.yield
      }) : () -> ()
      %dma_start3A = arith.constant 0 : i32
      %dma_start3A_62 = arith.constant 0 : i32
      %dma_start3A_63 = tpu.memref_slice %arg7[%dma_start3A, %dma_start3A_62] : memref<128x128xf32, #tpu.memory_space<vmem>> -> memref<64x128xf32, #tpu.memory_space<vmem>>
      %dma_start3A_64 = arith.constant 0 : i32
      %dma_start3A_65 = tpu.memref_slice %arg2[%add3A_45, %dma_start3A_64] : memref<327680x128xf32, #tpu.memory_space<hbm>> -> memref<64x128xf32, #tpu.memory_space<hbm>>
      %dma_start3A_66 = arith.constant 0 : i32
      %dma_start3A_67 = arith.constant 0 : i32
      %dma_start3A_68 = tpu.memref_slice %arg7[%dma_start3A_66, %dma_start3A_67] : memref<128x128xf32, #tpu.memory_space<vmem>> -> memref<64x128xf32, #tpu.memory_space<vmem>>
      %dma_start3A_69 = arith.constant 0 : i32
      %dma_start3A_70 = tpu.memref_slice %arg2[%add3A_45, %dma_start3A_69] : memref<327680x128xf32, #tpu.memory_space<hbm>> -> memref<64x128xf32, #tpu.memory_space<hbm>>
      tpu.enqueue_dma source(%dma_start3A_70 : memref<64x128xf32, #tpu.memory_space<hbm>>) target(%dma_start3A_68 : memref<64x128xf32, #tpu.memory_space<vmem>>) target_semaphore(%arg11 : memref<!tpu.dma_semaphore, #tpu.memory_space<semaphore_mem>>)
      %add3A_71 = arith.constant 64 : i32
      %add3A_72 = arith.addi %add3A_45, %add3A_71 : i32
      %dma_start3A_73 = arith.constant 64 : i32
      %dma_start3A_74 = arith.constant 0 : i32
      %dma_start3A_75 = tpu.memref_slice %arg7[%dma_start3A_73, %dma_start3A_74] : memref<128x128xf32, #tpu.memory_space<vmem>> -> memref<64x128xf32, #tpu.memory_space<vmem>>
      %dma_start3A_76 = arith.constant 0 : i32
      %dma_start3A_77 = tpu.memref_slice %arg2[%add3A_72, %dma_start3A_76] : memref<327680x128xf32, #tpu.memory_space<hbm>> -> memref<64x128xf32, #tpu.memory_space<hbm>>
      %dma_start3A_78 = arith.constant 64 : i32
      %dma_start3A_79 = arith.constant 0 : i32
      %dma_start3A_80 = tpu.memref_slice %arg7[%dma_start3A_78, %dma_start3A_79] : memref<128x128xf32, #tpu.memory_space<vmem>> -> memref<64x128xf32, #tpu.memory_space<vmem>>
      %dma_start3A_81 = arith.constant 0 : i32
      %dma_start3A_82 = tpu.memref_slice %arg2[%add3A_72, %dma_start3A_81] : memref<327680x128xf32, #tpu.memory_space<hbm>> -> memref<64x128xf32, #tpu.memory_space<hbm>>
      tpu.enqueue_dma source(%dma_start3A_82 : memref<64x128xf32, #tpu.memory_space<hbm>>) target(%dma_start3A_80 : memref<64x128xf32, #tpu.memory_space<vmem>>) target_semaphore(%arg12 : memref<!tpu.dma_semaphore, #tpu.memory_space<semaphore_mem>>)
      %dma_wait3A = arith.constant 0 : i32
      %dma_wait3A_83 = arith.constant 0 : i32
      %dma_wait3A_84 = tpu.memref_slice %arg7[%dma_wait3A, %dma_wait3A_83] : memref<128x128xf32, #tpu.memory_space<vmem>> -> memref<64x128xf32, #tpu.memory_space<vmem>>
      %dma_wait3A_85 = arith.constant 0 : i32
      %dma_wait3A_86 = tpu.memref_slice %arg2[%add3A_45, %dma_wait3A_85] : memref<327680x128xf32, #tpu.memory_space<hbm>> -> memref<64x128xf32, #tpu.memory_space<hbm>>
      %dma_wait3A_87 = arith.constant 0 : i32
      %dma_wait3A_88 = arith.constant 0 : i32
      %dma_wait3A_89 = tpu.memref_slice %arg7[%dma_wait3A_87, %dma_wait3A_88] : memref<128x128xf32, #tpu.memory_space<vmem>> -> memref<64x128xf32, #tpu.memory_space<vmem>>
      %dma_wait3A_90 = arith.constant 0 : i32
      %dma_wait3A_91 = tpu.memref_slice %arg2[%add3A_45, %dma_wait3A_90] : memref<327680x128xf32, #tpu.memory_space<hbm>> -> memref<64x128xf32, #tpu.memory_space<hbm>>
      tpu.wait_dma2 semaphore(%arg11 : memref<!tpu.dma_semaphore, #tpu.memory_space<semaphore_mem>>) src(%dma_wait3A_91 : memref<64x128xf32, #tpu.memory_space<hbm>>) dst(%dma_wait3A_89 : memref<64x128xf32, #tpu.memory_space<vmem>>)
      %run_scoped3A_92 = arith.constant 0 : i32
      "tpu.region"() ({
        %run_scoped3A_427 = tpu.sem_alloc : memref<!tpu.dma_semaphore, #tpu.memory_space<semaphore_mem>>
        %dma_start3A_428 = arith.constant 0 : i32
        %dma_start3A_429 = arith.constant 0 : i32
        %dma_start3A_430 = tpu.memref_slice %arg7[%dma_start3A_428, %dma_start3A_429] : memref<128x128xf32, #tpu.memory_space<vmem>> -> memref<64x128xf32, #tpu.memory_space<vmem>>
        %dma_start3A_431 = arith.constant 0 : i32
        %dma_start3A_432 = tpu.memref_slice %arg8[%run_scoped3A_92, %dma_start3A_431] : memref<8x128xi32, #tpu.memory_space<vmem>> -> memref<1x64xi32, #tpu.memory_space<vmem>>
        %dma_start3A_433 = tpu.memref_squeeze %dma_start3A_432 : memref<1x64xi32, #tpu.memory_space<vmem>> -> memref<64xi32, #tpu.memory_space<vmem>>
        %dma_start3A_434 = arith.constant 0 : i32
        %dma_start3A_435 = arith.constant 0 : i32
        %dma_start3A_436 = tpu.memref_slice %arg10[%dma_start3A_434, %dma_start3A_435] : memref<10240x128xf32, #tpu.memory_space<vmem_shared>> -> memref<10240x128xf32, #tpu.memory_space<vmem_shared>>
        tpu.enqueue_indirect_dma source(%dma_start3A_430 : memref<64x128xf32, #tpu.memory_space<vmem>>) target(%dma_start3A_436 : memref<10240x128xf32, #tpu.memory_space<vmem_shared>>) offsets(%dma_start3A_433 : memref<64xi32, #tpu.memory_space<vmem>>) semaphore(%run_scoped3A_427 : memref<!tpu.dma_semaphore, #tpu.memory_space<semaphore_mem>>) {add = true}
        %dma_wait3A_437 = arith.constant 0 : i32
        %dma_wait3A_438 = arith.constant 0 : i32
        %dma_wait3A_439 = tpu.memref_slice %arg7[%dma_wait3A_437, %dma_wait3A_438] : memref<128x128xf32, #tpu.memory_space<vmem>> -> memref<64x128xf32, #tpu.memory_space<vmem>>
        %dma_wait3A_440 = arith.constant 0 : i32
        %dma_wait3A_441 = tpu.memref_slice %arg8[%run_scoped3A_92, %dma_wait3A_440] : memref<8x128xi32, #tpu.memory_space<vmem>> -> memref<1x64xi32, #tpu.memory_space<vmem>>
        %dma_wait3A_442 = tpu.memref_squeeze %dma_wait3A_441 : memref<1x64xi32, #tpu.memory_space<vmem>> -> memref<64xi32, #tpu.memory_space<vmem>>
        %dma_wait3A_443 = arith.constant 0 : i32
        %dma_wait3A_444 = arith.constant 0 : i32
        %dma_wait3A_445 = tpu.memref_slice %arg10[%dma_wait3A_443, %dma_wait3A_444] : memref<10240x128xf32, #tpu.memory_space<vmem_shared>> -> memref<10240x128xf32, #tpu.memory_space<vmem_shared>>
        tpu.wait_indirect_dma semaphore(%run_scoped3A_427 : memref<!tpu.dma_semaphore, #tpu.memory_space<semaphore_mem>>) src(%dma_wait3A_439 : memref<64x128xf32, #tpu.memory_space<vmem>>) dst(%dma_wait3A_445 : memref<10240x128xf32, #tpu.memory_space<vmem_shared>>)
        tpu.yield
      }) : () -> ()
      %add3A_93 = arith.constant 128 : i32
      %add3A_94 = arith.addi %add3A_45, %add3A_93 : i32
      %dma_start3A_95 = arith.constant 0 : i32
      %dma_start3A_96 = arith.constant 0 : i32
      %dma_start3A_97 = tpu.memref_slice %arg7[%dma_start3A_95, %dma_start3A_96] : memref<128x128xf32, #tpu.memory_space<vmem>> -> memref<64x128xf32, #tpu.memory_space<vmem>>
      %dma_start3A_98 = arith.constant 0 : i32
      %dma_start3A_99 = tpu.memref_slice %arg2[%add3A_94, %dma_start3A_98] : memref<327680x128xf32, #tpu.memory_space<hbm>> -> memref<64x128xf32, #tpu.memory_space<hbm>>
      %dma_start3A_100 = arith.constant 0 : i32
      %dma_start3A_101 = arith.constant 0 : i32
      %dma_start3A_102 = tpu.memref_slice %arg7[%dma_start3A_100, %dma_start3A_101] : memref<128x128xf32, #tpu.memory_space<vmem>> -> memref<64x128xf32, #tpu.memory_space<vmem>>
      %dma_start3A_103 = arith.constant 0 : i32
      %dma_start3A_104 = tpu.memref_slice %arg2[%add3A_94, %dma_start3A_103] : memref<327680x128xf32, #tpu.memory_space<hbm>> -> memref<64x128xf32, #tpu.memory_space<hbm>>
      tpu.enqueue_dma source(%dma_start3A_104 : memref<64x128xf32, #tpu.memory_space<hbm>>) target(%dma_start3A_102 : memref<64x128xf32, #tpu.memory_space<vmem>>) target_semaphore(%arg11 : memref<!tpu.dma_semaphore, #tpu.memory_space<semaphore_mem>>)
      %dma_wait3A_105 = arith.constant 64 : i32
      %dma_wait3A_106 = arith.constant 0 : i32
      %dma_wait3A_107 = tpu.memref_slice %arg7[%dma_wait3A_105, %dma_wait3A_106] : memref<128x128xf32, #tpu.memory_space<vmem>> -> memref<64x128xf32, #tpu.memory_space<vmem>>
      %dma_wait3A_108 = arith.constant 0 : i32
      %dma_wait3A_109 = tpu.memref_slice %arg2[%add3A_72, %dma_wait3A_108] : memref<327680x128xf32, #tpu.memory_space<hbm>> -> memref<64x128xf32, #tpu.memory_space<hbm>>
      %dma_wait3A_110 = arith.constant 64 : i32
      %dma_wait3A_111 = arith.constant 0 : i32
      %dma_wait3A_112 = tpu.memref_slice %arg7[%dma_wait3A_110, %dma_wait3A_111] : memref<128x128xf32, #tpu.memory_space<vmem>> -> memref<64x128xf32, #tpu.memory_space<vmem>>
      %dma_wait3A_113 = arith.constant 0 : i32
      %dma_wait3A_114 = tpu.memref_slice %arg2[%add3A_72, %dma_wait3A_113] : memref<327680x128xf32, #tpu.memory_space<hbm>> -> memref<64x128xf32, #tpu.memory_space<hbm>>
      tpu.wait_dma2 semaphore(%arg12 : memref<!tpu.dma_semaphore, #tpu.memory_space<semaphore_mem>>) src(%dma_wait3A_114 : memref<64x128xf32, #tpu.memory_space<hbm>>) dst(%dma_wait3A_112 : memref<64x128xf32, #tpu.memory_space<vmem>>)
      %run_scoped3A_115 = arith.constant 0 : i32
      "tpu.region"() ({
        %run_scoped3A_427 = tpu.sem_alloc : memref<!tpu.dma_semaphore, #tpu.memory_space<semaphore_mem>>
        %dma_start3A_428 = arith.constant 64 : i32
        %dma_start3A_429 = arith.constant 0 : i32
        %dma_start3A_430 = tpu.memref_slice %arg7[%dma_start3A_428, %dma_start3A_429] : memref<128x128xf32, #tpu.memory_space<vmem>> -> memref<64x128xf32, #tpu.memory_space<vmem>>
        %dma_start3A_431 = arith.constant 64 : i32
        %dma_start3A_432 = tpu.memref_slice %arg8[%run_scoped3A_115, %dma_start3A_431] : memref<8x128xi32, #tpu.memory_space<vmem>> -> memref<1x64xi32, #tpu.memory_space<vmem>>
        %dma_start3A_433 = tpu.memref_squeeze %dma_start3A_432 : memref<1x64xi32, #tpu.memory_space<vmem>> -> memref<64xi32, #tpu.memory_space<vmem>>
        %dma_start3A_434 = arith.constant 0 : i32
        %dma_start3A_435 = arith.constant 0 : i32
        %dma_start3A_436 = tpu.memref_slice %arg10[%dma_start3A_434, %dma_start3A_435] : memref<10240x128xf32, #tpu.memory_space<vmem_shared>> -> memref<10240x128xf32, #tpu.memory_space<vmem_shared>>
        tpu.enqueue_indirect_dma source(%dma_start3A_430 : memref<64x128xf32, #tpu.memory_space<vmem>>) target(%dma_start3A_436 : memref<10240x128xf32, #tpu.memory_space<vmem_shared>>) offsets(%dma_start3A_433 : memref<64xi32, #tpu.memory_space<vmem>>) semaphore(%run_scoped3A_427 : memref<!tpu.dma_semaphore, #tpu.memory_space<semaphore_mem>>) {add = true}
        %dma_wait3A_437 = arith.constant 64 : i32
        %dma_wait3A_438 = arith.constant 0 : i32
        %dma_wait3A_439 = tpu.memref_slice %arg7[%dma_wait3A_437, %dma_wait3A_438] : memref<128x128xf32, #tpu.memory_space<vmem>> -> memref<64x128xf32, #tpu.memory_space<vmem>>
        %dma_wait3A_440 = arith.constant 64 : i32
        %dma_wait3A_441 = tpu.memref_slice %arg8[%run_scoped3A_115, %dma_wait3A_440] : memref<8x128xi32, #tpu.memory_space<vmem>> -> memref<1x64xi32, #tpu.memory_space<vmem>>
        %dma_wait3A_442 = tpu.memref_squeeze %dma_wait3A_441 : memref<1x64xi32, #tpu.memory_space<vmem>> -> memref<64xi32, #tpu.memory_space<vmem>>
        %dma_wait3A_443 = arith.constant 0 : i32
        %dma_wait3A_444 = arith.constant 0 : i32
        %dma_wait3A_445 = tpu.memref_slice %arg10[%dma_wait3A_443, %dma_wait3A_444] : memref<10240x128xf32, #tpu.memory_space<vmem_shared>> -> memref<10240x128xf32, #tpu.memory_space<vmem_shared>>
        tpu.wait_indirect_dma semaphore(%run_scoped3A_427 : memref<!tpu.dma_semaphore, #tpu.memory_space<semaphore_mem>>) src(%dma_wait3A_439 : memref<64x128xf32, #tpu.memory_space<vmem>>) dst(%dma_wait3A_445 : memref<10240x128xf32, #tpu.memory_space<vmem_shared>>)
        tpu.yield
      }) : () -> ()
      %add3A_116 = arith.constant 192 : i32
      %add3A_117 = arith.addi %add3A_45, %add3A_116 : i32
      %dma_start3A_118 = arith.constant 64 : i32
      %dma_start3A_119 = arith.constant 0 : i32
      %dma_start3A_120 = tpu.memref_slice %arg7[%dma_start3A_118, %dma_start3A_119] : memref<128x128xf32, #tpu.memory_space<vmem>> -> memref<64x128xf32, #tpu.memory_space<vmem>>
      %dma_start3A_121 = arith.constant 0 : i32
      %dma_start3A_122 = tpu.memref_slice %arg2[%add3A_117, %dma_start3A_121] : memref<327680x128xf32, #tpu.memory_space<hbm>> -> memref<64x128xf32, #tpu.memory_space<hbm>>
      %dma_start3A_123 = arith.constant 64 : i32
      %dma_start3A_124 = arith.constant 0 : i32
      %dma_start3A_125 = tpu.memref_slice %arg7[%dma_start3A_123, %dma_start3A_124] : memref<128x128xf32, #tpu.memory_space<vmem>> -> memref<64x128xf32, #tpu.memory_space<vmem>>
      %dma_start3A_126 = arith.constant 0 : i32
      %dma_start3A_127 = tpu.memref_slice %arg2[%add3A_117, %dma_start3A_126] : memref<327680x128xf32, #tpu.memory_space<hbm>> -> memref<64x128xf32, #tpu.memory_space<hbm>>
      tpu.enqueue_dma source(%dma_start3A_127 : memref<64x128xf32, #tpu.memory_space<hbm>>) target(%dma_start3A_125 : memref<64x128xf32, #tpu.memory_space<vmem>>) target_semaphore(%arg12 : memref<!tpu.dma_semaphore, #tpu.memory_space<semaphore_mem>>)
      %dma_wait3A_128 = arith.constant 0 : i32
      %dma_wait3A_129 = arith.constant 0 : i32
      %dma_wait3A_130 = tpu.memref_slice %arg7[%dma_wait3A_128, %dma_wait3A_129] : memref<128x128xf32, #tpu.memory_space<vmem>> -> memref<64x128xf32, #tpu.memory_space<vmem>>
      %dma_wait3A_131 = arith.constant 0 : i32
      %dma_wait3A_132 = tpu.memref_slice %arg2[%add3A_94, %dma_wait3A_131] : memref<327680x128xf32, #tpu.memory_space<hbm>> -> memref<64x128xf32, #tpu.memory_space<hbm>>
      %dma_wait3A_133 = arith.constant 0 : i32
      %dma_wait3A_134 = arith.constant 0 : i32
      %dma_wait3A_135 = tpu.memref_slice %arg7[%dma_wait3A_133, %dma_wait3A_134] : memref<128x128xf32, #tpu.memory_space<vmem>> -> memref<64x128xf32, #tpu.memory_space<vmem>>
      %dma_wait3A_136 = arith.constant 0 : i32
      %dma_wait3A_137 = tpu.memref_slice %arg2[%add3A_94, %dma_wait3A_136] : memref<327680x128xf32, #tpu.memory_space<hbm>> -> memref<64x128xf32, #tpu.memory_space<hbm>>
      tpu.wait_dma2 semaphore(%arg11 : memref<!tpu.dma_semaphore, #tpu.memory_space<semaphore_mem>>) src(%dma_wait3A_137 : memref<64x128xf32, #tpu.memory_space<hbm>>) dst(%dma_wait3A_135 : memref<64x128xf32, #tpu.memory_space<vmem>>)
      %run_scoped3A_138 = arith.constant 1 : i32
      "tpu.region"() ({
        %run_scoped3A_427 = tpu.sem_alloc : memref<!tpu.dma_semaphore, #tpu.memory_space<semaphore_mem>>
        %dma_start3A_428 = arith.constant 0 : i32
        %dma_start3A_429 = arith.constant 0 : i32
        %dma_start3A_430 = tpu.memref_slice %arg7[%dma_start3A_428, %dma_start3A_429] : memref<128x128xf32, #tpu.memory_space<vmem>> -> memref<64x128xf32, #tpu.memory_space<vmem>>
        %dma_start3A_431 = arith.constant 0 : i32
        %dma_start3A_432 = tpu.memref_slice %arg8[%run_scoped3A_138, %dma_start3A_431] : memref<8x128xi32, #tpu.memory_space<vmem>> -> memref<1x64xi32, #tpu.memory_space<vmem>>
        %dma_start3A_433 = tpu.memref_squeeze %dma_start3A_432 : memref<1x64xi32, #tpu.memory_space<vmem>> -> memref<64xi32, #tpu.memory_space<vmem>>
        %dma_start3A_434 = arith.constant 0 : i32
        %dma_start3A_435 = arith.constant 0 : i32
        %dma_start3A_436 = tpu.memref_slice %arg10[%dma_start3A_434, %dma_start3A_435] : memref<10240x128xf32, #tpu.memory_space<vmem_shared>> -> memref<10240x128xf32, #tpu.memory_space<vmem_shared>>
        tpu.enqueue_indirect_dma source(%dma_start3A_430 : memref<64x128xf32, #tpu.memory_space<vmem>>) target(%dma_start3A_436 : memref<10240x128xf32, #tpu.memory_space<vmem_shared>>) offsets(%dma_start3A_433 : memref<64xi32, #tpu.memory_space<vmem>>) semaphore(%run_scoped3A_427 : memref<!tpu.dma_semaphore, #tpu.memory_space<semaphore_mem>>) {add = true}
        %dma_wait3A_437 = arith.constant 0 : i32
        %dma_wait3A_438 = arith.constant 0 : i32
        %dma_wait3A_439 = tpu.memref_slice %arg7[%dma_wait3A_437, %dma_wait3A_438] : memref<128x128xf32, #tpu.memory_space<vmem>> -> memref<64x128xf32, #tpu.memory_space<vmem>>
        %dma_wait3A_440 = arith.constant 0 : i32
        %dma_wait3A_441 = tpu.memref_slice %arg8[%run_scoped3A_138, %dma_wait3A_440] : memref<8x128xi32, #tpu.memory_space<vmem>> -> memref<1x64xi32, #tpu.memory_space<vmem>>
        %dma_wait3A_442 = tpu.memref_squeeze %dma_wait3A_441 : memref<1x64xi32, #tpu.memory_space<vmem>> -> memref<64xi32, #tpu.memory_space<vmem>>
        %dma_wait3A_443 = arith.constant 0 : i32
        %dma_wait3A_444 = arith.constant 0 : i32
        %dma_wait3A_445 = tpu.memref_slice %arg10[%dma_wait3A_443, %dma_wait3A_444] : memref<10240x128xf32, #tpu.memory_space<vmem_shared>> -> memref<10240x128xf32, #tpu.memory_space<vmem_shared>>
        tpu.wait_indirect_dma semaphore(%run_scoped3A_427 : memref<!tpu.dma_semaphore, #tpu.memory_space<semaphore_mem>>) src(%dma_wait3A_439 : memref<64x128xf32, #tpu.memory_space<vmem>>) dst(%dma_wait3A_445 : memref<10240x128xf32, #tpu.memory_space<vmem_shared>>)
        tpu.yield
      }) : () -> ()
      %add3A_139 = arith.constant 256 : i32
      %add3A_140 = arith.addi %add3A_45, %add3A_139 : i32
      %dma_start3A_141 = arith.constant 0 : i32
      %dma_start3A_142 = arith.constant 0 : i32
      %dma_start3A_143 = tpu.memref_slice %arg7[%dma_start3A_141, %dma_start3A_142] : memref<128x128xf32, #tpu.memory_space<vmem>> -> memref<64x128xf32, #tpu.memory_space<vmem>>
      %dma_start3A_144 = arith.constant 0 : i32
      %dma_start3A_145 = tpu.memref_slice %arg2[%add3A_140, %dma_start3A_144] : memref<327680x128xf32, #tpu.memory_space<hbm>> -> memref<64x128xf32, #tpu.memory_space<hbm>>
      %dma_start3A_146 = arith.constant 0 : i32
      %dma_start3A_147 = arith.constant 0 : i32
      %dma_start3A_148 = tpu.memref_slice %arg7[%dma_start3A_146, %dma_start3A_147] : memref<128x128xf32, #tpu.memory_space<vmem>> -> memref<64x128xf32, #tpu.memory_space<vmem>>
      %dma_start3A_149 = arith.constant 0 : i32
      %dma_start3A_150 = tpu.memref_slice %arg2[%add3A_140, %dma_start3A_149] : memref<327680x128xf32, #tpu.memory_space<hbm>> -> memref<64x128xf32, #tpu.memory_space<hbm>>
      tpu.enqueue_dma source(%dma_start3A_150 : memref<64x128xf32, #tpu.memory_space<hbm>>) target(%dma_start3A_148 : memref<64x128xf32, #tpu.memory_space<vmem>>) target_semaphore(%arg11 : memref<!tpu.dma_semaphore, #tpu.memory_space<semaphore_mem>>)
      %dma_wait3A_151 = arith.constant 64 : i32
      %dma_wait3A_152 = arith.constant 0 : i32
      %dma_wait3A_153 = tpu.memref_slice %arg7[%dma_wait3A_151, %dma_wait3A_152] : memref<128x128xf32, #tpu.memory_space<vmem>> -> memref<64x128xf32, #tpu.memory_space<vmem>>
      %dma_wait3A_154 = arith.constant 0 : i32
      %dma_wait3A_155 = tpu.memref_slice %arg2[%add3A_117, %dma_wait3A_154] : memref<327680x128xf32, #tpu.memory_space<hbm>> -> memref<64x128xf32, #tpu.memory_space<hbm>>
      %dma_wait3A_156 = arith.constant 64 : i32
      %dma_wait3A_157 = arith.constant 0 : i32
      %dma_wait3A_158 = tpu.memref_slice %arg7[%dma_wait3A_156, %dma_wait3A_157] : memref<128x128xf32, #tpu.memory_space<vmem>> -> memref<64x128xf32, #tpu.memory_space<vmem>>
      %dma_wait3A_159 = arith.constant 0 : i32
      %dma_wait3A_160 = tpu.memref_slice %arg2[%add3A_117, %dma_wait3A_159] : memref<327680x128xf32, #tpu.memory_space<hbm>> -> memref<64x128xf32, #tpu.memory_space<hbm>>
      tpu.wait_dma2 semaphore(%arg12 : memref<!tpu.dma_semaphore, #tpu.memory_space<semaphore_mem>>) src(%dma_wait3A_160 : memref<64x128xf32, #tpu.memory_space<hbm>>) dst(%dma_wait3A_158 : memref<64x128xf32, #tpu.memory_space<vmem>>)
      %run_scoped3A_161 = arith.constant 1 : i32
      "tpu.region"() ({
        %run_scoped3A_427 = tpu.sem_alloc : memref<!tpu.dma_semaphore, #tpu.memory_space<semaphore_mem>>
        %dma_start3A_428 = arith.constant 64 : i32
        %dma_start3A_429 = arith.constant 0 : i32
        %dma_start3A_430 = tpu.memref_slice %arg7[%dma_start3A_428, %dma_start3A_429] : memref<128x128xf32, #tpu.memory_space<vmem>> -> memref<64x128xf32, #tpu.memory_space<vmem>>
        %dma_start3A_431 = arith.constant 64 : i32
        %dma_start3A_432 = tpu.memref_slice %arg8[%run_scoped3A_161, %dma_start3A_431] : memref<8x128xi32, #tpu.memory_space<vmem>> -> memref<1x64xi32, #tpu.memory_space<vmem>>
        %dma_start3A_433 = tpu.memref_squeeze %dma_start3A_432 : memref<1x64xi32, #tpu.memory_space<vmem>> -> memref<64xi32, #tpu.memory_space<vmem>>
        %dma_start3A_434 = arith.constant 0 : i32
        %dma_start3A_435 = arith.constant 0 : i32
        %dma_start3A_436 = tpu.memref_slice %arg10[%dma_start3A_434, %dma_start3A_435] : memref<10240x128xf32, #tpu.memory_space<vmem_shared>> -> memref<10240x128xf32, #tpu.memory_space<vmem_shared>>
        tpu.enqueue_indirect_dma source(%dma_start3A_430 : memref<64x128xf32, #tpu.memory_space<vmem>>) target(%dma_start3A_436 : memref<10240x128xf32, #tpu.memory_space<vmem_shared>>) offsets(%dma_start3A_433 : memref<64xi32, #tpu.memory_space<vmem>>) semaphore(%run_scoped3A_427 : memref<!tpu.dma_semaphore, #tpu.memory_space<semaphore_mem>>) {add = true}
        %dma_wait3A_437 = arith.constant 64 : i32
        %dma_wait3A_438 = arith.constant 0 : i32
        %dma_wait3A_439 = tpu.memref_slice %arg7[%dma_wait3A_437, %dma_wait3A_438] : memref<128x128xf32, #tpu.memory_space<vmem>> -> memref<64x128xf32, #tpu.memory_space<vmem>>
        %dma_wait3A_440 = arith.constant 64 : i32
        %dma_wait3A_441 = tpu.memref_slice %arg8[%run_scoped3A_161, %dma_wait3A_440] : memref<8x128xi32, #tpu.memory_space<vmem>> -> memref<1x64xi32, #tpu.memory_space<vmem>>
        %dma_wait3A_442 = tpu.memref_squeeze %dma_wait3A_441 : memref<1x64xi32, #tpu.memory_space<vmem>> -> memref<64xi32, #tpu.memory_space<vmem>>
        %dma_wait3A_443 = arith.constant 0 : i32
        %dma_wait3A_444 = arith.constant 0 : i32
        %dma_wait3A_445 = tpu.memref_slice %arg10[%dma_wait3A_443, %dma_wait3A_444] : memref<10240x128xf32, #tpu.memory_space<vmem_shared>> -> memref<10240x128xf32, #tpu.memory_space<vmem_shared>>
        tpu.wait_indirect_dma semaphore(%run_scoped3A_427 : memref<!tpu.dma_semaphore, #tpu.memory_space<semaphore_mem>>) src(%dma_wait3A_439 : memref<64x128xf32, #tpu.memory_space<vmem>>) dst(%dma_wait3A_445 : memref<10240x128xf32, #tpu.memory_space<vmem_shared>>)
        tpu.yield
      }) : () -> ()
      %add3A_162 = arith.constant 320 : i32
      %add3A_163 = arith.addi %add3A_45, %add3A_162 : i32
      %dma_start3A_164 = arith.constant 64 : i32
      %dma_start3A_165 = arith.constant 0 : i32
      %dma_start3A_166 = tpu.memref_slice %arg7[%dma_start3A_164, %dma_start3A_165] : memref<128x128xf32, #tpu.memory_space<vmem>> -> memref<64x128xf32, #tpu.memory_space<vmem>>
      %dma_start3A_167 = arith.constant 0 : i32
      %dma_start3A_168 = tpu.memref_slice %arg2[%add3A_163, %dma_start3A_167] : memref<327680x128xf32, #tpu.memory_space<hbm>> -> memref<64x128xf32, #tpu.memory_space<hbm>>
      %dma_start3A_169 = arith.constant 64 : i32
      %dma_start3A_170 = arith.constant 0 : i32
      %dma_start3A_171 = tpu.memref_slice %arg7[%dma_start3A_169, %dma_start3A_170] : memref<128x128xf32, #tpu.memory_space<vmem>> -> memref<64x128xf32, #tpu.memory_space<vmem>>
      %dma_start3A_172 = arith.constant 0 : i32
      %dma_start3A_173 = tpu.memref_slice %arg2[%add3A_163, %dma_start3A_172] : memref<327680x128xf32, #tpu.memory_space<hbm>> -> memref<64x128xf32, #tpu.memory_space<hbm>>
      tpu.enqueue_dma source(%dma_start3A_173 : memref<64x128xf32, #tpu.memory_space<hbm>>) target(%dma_start3A_171 : memref<64x128xf32, #tpu.memory_space<vmem>>) target_semaphore(%arg12 : memref<!tpu.dma_semaphore, #tpu.memory_space<semaphore_mem>>)
      %dma_wait3A_174 = arith.constant 0 : i32
      %dma_wait3A_175 = arith.constant 0 : i32
      %dma_wait3A_176 = tpu.memref_slice %arg7[%dma_wait3A_174, %dma_wait3A_175] : memref<128x128xf32, #tpu.memory_space<vmem>> -> memref<64x128xf32, #tpu.memory_space<vmem>>
      %dma_wait3A_177 = arith.constant 0 : i32
      %dma_wait3A_178 = tpu.memref_slice %arg2[%add3A_140, %dma_wait3A_177] : memref<327680x128xf32, #tpu.memory_space<hbm>> -> memref<64x128xf32, #tpu.memory_space<hbm>>
      %dma_wait3A_179 = arith.constant 0 : i32
      %dma_wait3A_180 = arith.constant 0 : i32
      %dma_wait3A_181 = tpu.memref_slice %arg7[%dma_wait3A_179, %dma_wait3A_180] : memref<128x128xf32, #tpu.memory_space<vmem>> -> memref<64x128xf32, #tpu.memory_space<vmem>>
      %dma_wait3A_182 = arith.constant 0 : i32
      %dma_wait3A_183 = tpu.memref_slice %arg2[%add3A_140, %dma_wait3A_182] : memref<327680x128xf32, #tpu.memory_space<hbm>> -> memref<64x128xf32, #tpu.memory_space<hbm>>
      tpu.wait_dma2 semaphore(%arg11 : memref<!tpu.dma_semaphore, #tpu.memory_space<semaphore_mem>>) src(%dma_wait3A_183 : memref<64x128xf32, #tpu.memory_space<hbm>>) dst(%dma_wait3A_181 : memref<64x128xf32, #tpu.memory_space<vmem>>)
      %run_scoped3A_184 = arith.constant 2 : i32
      "tpu.region"() ({
        %run_scoped3A_427 = tpu.sem_alloc : memref<!tpu.dma_semaphore, #tpu.memory_space<semaphore_mem>>
        %dma_start3A_428 = arith.constant 0 : i32
        %dma_start3A_429 = arith.constant 0 : i32
        %dma_start3A_430 = tpu.memref_slice %arg7[%dma_start3A_428, %dma_start3A_429] : memref<128x128xf32, #tpu.memory_space<vmem>> -> memref<64x128xf32, #tpu.memory_space<vmem>>
        %dma_start3A_431 = arith.constant 0 : i32
        %dma_start3A_432 = tpu.memref_slice %arg8[%run_scoped3A_184, %dma_start3A_431] : memref<8x128xi32, #tpu.memory_space<vmem>> -> memref<1x64xi32, #tpu.memory_space<vmem>>
        %dma_start3A_433 = tpu.memref_squeeze %dma_start3A_432 : memref<1x64xi32, #tpu.memory_space<vmem>> -> memref<64xi32, #tpu.memory_space<vmem>>
        %dma_start3A_434 = arith.constant 0 : i32
        %dma_start3A_435 = arith.constant 0 : i32
        %dma_start3A_436 = tpu.memref_slice %arg10[%dma_start3A_434, %dma_start3A_435] : memref<10240x128xf32, #tpu.memory_space<vmem_shared>> -> memref<10240x128xf32, #tpu.memory_space<vmem_shared>>
        tpu.enqueue_indirect_dma source(%dma_start3A_430 : memref<64x128xf32, #tpu.memory_space<vmem>>) target(%dma_start3A_436 : memref<10240x128xf32, #tpu.memory_space<vmem_shared>>) offsets(%dma_start3A_433 : memref<64xi32, #tpu.memory_space<vmem>>) semaphore(%run_scoped3A_427 : memref<!tpu.dma_semaphore, #tpu.memory_space<semaphore_mem>>) {add = true}
        %dma_wait3A_437 = arith.constant 0 : i32
        %dma_wait3A_438 = arith.constant 0 : i32
        %dma_wait3A_439 = tpu.memref_slice %arg7[%dma_wait3A_437, %dma_wait3A_438] : memref<128x128xf32, #tpu.memory_space<vmem>> -> memref<64x128xf32, #tpu.memory_space<vmem>>
        %dma_wait3A_440 = arith.constant 0 : i32
        %dma_wait3A_441 = tpu.memref_slice %arg8[%run_scoped3A_184, %dma_wait3A_440] : memref<8x128xi32, #tpu.memory_space<vmem>> -> memref<1x64xi32, #tpu.memory_space<vmem>>
        %dma_wait3A_442 = tpu.memref_squeeze %dma_wait3A_441 : memref<1x64xi32, #tpu.memory_space<vmem>> -> memref<64xi32, #tpu.memory_space<vmem>>
        %dma_wait3A_443 = arith.constant 0 : i32
        %dma_wait3A_444 = arith.constant 0 : i32
        %dma_wait3A_445 = tpu.memref_slice %arg10[%dma_wait3A_443, %dma_wait3A_444] : memref<10240x128xf32, #tpu.memory_space<vmem_shared>> -> memref<10240x128xf32, #tpu.memory_space<vmem_shared>>
        tpu.wait_indirect_dma semaphore(%run_scoped3A_427 : memref<!tpu.dma_semaphore, #tpu.memory_space<semaphore_mem>>) src(%dma_wait3A_439 : memref<64x128xf32, #tpu.memory_space<vmem>>) dst(%dma_wait3A_445 : memref<10240x128xf32, #tpu.memory_space<vmem_shared>>)
        tpu.yield
      }) : () -> ()
      %add3A_185 = arith.constant 384 : i32
      %add3A_186 = arith.addi %add3A_45, %add3A_185 : i32
      %dma_start3A_187 = arith.constant 0 : i32
      %dma_start3A_188 = arith.constant 0 : i32
      %dma_start3A_189 = tpu.memref_slice %arg7[%dma_start3A_187, %dma_start3A_188] : memref<128x128xf32, #tpu.memory_space<vmem>> -> memref<64x128xf32, #tpu.memory_space<vmem>>
      %dma_start3A_190 = arith.constant 0 : i32
      %dma_start3A_191 = tpu.memref_slice %arg2[%add3A_186, %dma_start3A_190] : memref<327680x128xf32, #tpu.memory_space<hbm>> -> memref<64x128xf32, #tpu.memory_space<hbm>>
      %dma_start3A_192 = arith.constant 0 : i32
      %dma_start3A_193 = arith.constant 0 : i32
      %dma_start3A_194 = tpu.memref_slice %arg7[%dma_start3A_192, %dma_start3A_193] : memref<128x128xf32, #tpu.memory_space<vmem>> -> memref<64x128xf32, #tpu.memory_space<vmem>>
      %dma_start3A_195 = arith.constant 0 : i32
      %dma_start3A_196 = tpu.memref_slice %arg2[%add3A_186, %dma_start3A_195] : memref<327680x128xf32, #tpu.memory_space<hbm>> -> memref<64x128xf32, #tpu.memory_space<hbm>>
      tpu.enqueue_dma source(%dma_start3A_196 : memref<64x128xf32, #tpu.memory_space<hbm>>) target(%dma_start3A_194 : memref<64x128xf32, #tpu.memory_space<vmem>>) target_semaphore(%arg11 : memref<!tpu.dma_semaphore, #tpu.memory_space<semaphore_mem>>)
      %dma_wait3A_197 = arith.constant 64 : i32
      %dma_wait3A_198 = arith.constant 0 : i32
      %dma_wait3A_199 = tpu.memref_slice %arg7[%dma_wait3A_197, %dma_wait3A_198] : memref<128x128xf32, #tpu.memory_space<vmem>> -> memref<64x128xf32, #tpu.memory_space<vmem>>
      %dma_wait3A_200 = arith.constant 0 : i32
      %dma_wait3A_201 = tpu.memref_slice %arg2[%add3A_163, %dma_wait3A_200] : memref<327680x128xf32, #tpu.memory_space<hbm>> -> memref<64x128xf32, #tpu.memory_space<hbm>>
      %dma_wait3A_202 = arith.constant 64 : i32
      %dma_wait3A_203 = arith.constant 0 : i32
      %dma_wait3A_204 = tpu.memref_slice %arg7[%dma_wait3A_202, %dma_wait3A_203] : memref<128x128xf32, #tpu.memory_space<vmem>> -> memref<64x128xf32, #tpu.memory_space<vmem>>
      %dma_wait3A_205 = arith.constant 0 : i32
      %dma_wait3A_206 = tpu.memref_slice %arg2[%add3A_163, %dma_wait3A_205] : memref<327680x128xf32, #tpu.memory_space<hbm>> -> memref<64x128xf32, #tpu.memory_space<hbm>>
      tpu.wait_dma2 semaphore(%arg12 : memref<!tpu.dma_semaphore, #tpu.memory_space<semaphore_mem>>) src(%dma_wait3A_206 : memref<64x128xf32, #tpu.memory_space<hbm>>) dst(%dma_wait3A_204 : memref<64x128xf32, #tpu.memory_space<vmem>>)
      %run_scoped3A_207 = arith.constant 2 : i32
      "tpu.region"() ({
        %run_scoped3A_427 = tpu.sem_alloc : memref<!tpu.dma_semaphore, #tpu.memory_space<semaphore_mem>>
        %dma_start3A_428 = arith.constant 64 : i32
        %dma_start3A_429 = arith.constant 0 : i32
        %dma_start3A_430 = tpu.memref_slice %arg7[%dma_start3A_428, %dma_start3A_429] : memref<128x128xf32, #tpu.memory_space<vmem>> -> memref<64x128xf32, #tpu.memory_space<vmem>>
        %dma_start3A_431 = arith.constant 64 : i32
        %dma_start3A_432 = tpu.memref_slice %arg8[%run_scoped3A_207, %dma_start3A_431] : memref<8x128xi32, #tpu.memory_space<vmem>> -> memref<1x64xi32, #tpu.memory_space<vmem>>
        %dma_start3A_433 = tpu.memref_squeeze %dma_start3A_432 : memref<1x64xi32, #tpu.memory_space<vmem>> -> memref<64xi32, #tpu.memory_space<vmem>>
        %dma_start3A_434 = arith.constant 0 : i32
        %dma_start3A_435 = arith.constant 0 : i32
        %dma_start3A_436 = tpu.memref_slice %arg10[%dma_start3A_434, %dma_start3A_435] : memref<10240x128xf32, #tpu.memory_space<vmem_shared>> -> memref<10240x128xf32, #tpu.memory_space<vmem_shared>>
        tpu.enqueue_indirect_dma source(%dma_start3A_430 : memref<64x128xf32, #tpu.memory_space<vmem>>) target(%dma_start3A_436 : memref<10240x128xf32, #tpu.memory_space<vmem_shared>>) offsets(%dma_start3A_433 : memref<64xi32, #tpu.memory_space<vmem>>) semaphore(%run_scoped3A_427 : memref<!tpu.dma_semaphore, #tpu.memory_space<semaphore_mem>>) {add = true}
        %dma_wait3A_437 = arith.constant 64 : i32
        %dma_wait3A_438 = arith.constant 0 : i32
        %dma_wait3A_439 = tpu.memref_slice %arg7[%dma_wait3A_437, %dma_wait3A_438] : memref<128x128xf32, #tpu.memory_space<vmem>> -> memref<64x128xf32, #tpu.memory_space<vmem>>
        %dma_wait3A_440 = arith.constant 64 : i32
        %dma_wait3A_441 = tpu.memref_slice %arg8[%run_scoped3A_207, %dma_wait3A_440] : memref<8x128xi32, #tpu.memory_space<vmem>> -> memref<1x64xi32, #tpu.memory_space<vmem>>
        %dma_wait3A_442 = tpu.memref_squeeze %dma_wait3A_441 : memref<1x64xi32, #tpu.memory_space<vmem>> -> memref<64xi32, #tpu.memory_space<vmem>>
        %dma_wait3A_443 = arith.constant 0 : i32
        %dma_wait3A_444 = arith.constant 0 : i32
        %dma_wait3A_445 = tpu.memref_slice %arg10[%dma_wait3A_443, %dma_wait3A_444] : memref<10240x128xf32, #tpu.memory_space<vmem_shared>> -> memref<10240x128xf32, #tpu.memory_space<vmem_shared>>
        tpu.wait_indirect_dma semaphore(%run_scoped3A_427 : memref<!tpu.dma_semaphore, #tpu.memory_space<semaphore_mem>>) src(%dma_wait3A_439 : memref<64x128xf32, #tpu.memory_space<vmem>>) dst(%dma_wait3A_445 : memref<10240x128xf32, #tpu.memory_space<vmem_shared>>)
        tpu.yield
      }) : () -> ()
      %add3A_208 = arith.constant 448 : i32
      %add3A_209 = arith.addi %add3A_45, %add3A_208 : i32
      %dma_start3A_210 = arith.constant 64 : i32
      %dma_start3A_211 = arith.constant 0 : i32
      %dma_start3A_212 = tpu.memref_slice %arg7[%dma_start3A_210, %dma_start3A_211] : memref<128x128xf32, #tpu.memory_space<vmem>> -> memref<64x128xf32, #tpu.memory_space<vmem>>
      %dma_start3A_213 = arith.constant 0 : i32
      %dma_start3A_214 = tpu.memref_slice %arg2[%add3A_209, %dma_start3A_213] : memref<327680x128xf32, #tpu.memory_space<hbm>> -> memref<64x128xf32, #tpu.memory_space<hbm>>
      %dma_start3A_215 = arith.constant 64 : i32
      %dma_start3A_216 = arith.constant 0 : i32
      %dma_start3A_217 = tpu.memref_slice %arg7[%dma_start3A_215, %dma_start3A_216] : memref<128x128xf32, #tpu.memory_space<vmem>> -> memref<64x128xf32, #tpu.memory_space<vmem>>
      %dma_start3A_218 = arith.constant 0 : i32
      %dma_start3A_219 = tpu.memref_slice %arg2[%add3A_209, %dma_start3A_218] : memref<327680x128xf32, #tpu.memory_space<hbm>> -> memref<64x128xf32, #tpu.memory_space<hbm>>
      tpu.enqueue_dma source(%dma_start3A_219 : memref<64x128xf32, #tpu.memory_space<hbm>>) target(%dma_start3A_217 : memref<64x128xf32, #tpu.memory_space<vmem>>) target_semaphore(%arg12 : memref<!tpu.dma_semaphore, #tpu.memory_space<semaphore_mem>>)
      %dma_wait3A_220 = arith.constant 0 : i32
      %dma_wait3A_221 = arith.constant 0 : i32
      %dma_wait3A_222 = tpu.memref_slice %arg7[%dma_wait3A_220, %dma_wait3A_221] : memref<128x128xf32, #tpu.memory_space<vmem>> -> memref<64x128xf32, #tpu.memory_space<vmem>>
      %dma_wait3A_223 = arith.constant 0 : i32
      %dma_wait3A_224 = tpu.memref_slice %arg2[%add3A_186, %dma_wait3A_223] : memref<327680x128xf32, #tpu.memory_space<hbm>> -> memref<64x128xf32, #tpu.memory_space<hbm>>
      %dma_wait3A_225 = arith.constant 0 : i32
      %dma_wait3A_226 = arith.constant 0 : i32
      %dma_wait3A_227 = tpu.memref_slice %arg7[%dma_wait3A_225, %dma_wait3A_226] : memref<128x128xf32, #tpu.memory_space<vmem>> -> memref<64x128xf32, #tpu.memory_space<vmem>>
      %dma_wait3A_228 = arith.constant 0 : i32
      %dma_wait3A_229 = tpu.memref_slice %arg2[%add3A_186, %dma_wait3A_228] : memref<327680x128xf32, #tpu.memory_space<hbm>> -> memref<64x128xf32, #tpu.memory_space<hbm>>
      tpu.wait_dma2 semaphore(%arg11 : memref<!tpu.dma_semaphore, #tpu.memory_space<semaphore_mem>>) src(%dma_wait3A_229 : memref<64x128xf32, #tpu.memory_space<hbm>>) dst(%dma_wait3A_227 : memref<64x128xf32, #tpu.memory_space<vmem>>)
      %run_scoped3A_230 = arith.constant 3 : i32
      "tpu.region"() ({
        %run_scoped3A_427 = tpu.sem_alloc : memref<!tpu.dma_semaphore, #tpu.memory_space<semaphore_mem>>
        %dma_start3A_428 = arith.constant 0 : i32
        %dma_start3A_429 = arith.constant 0 : i32
        %dma_start3A_430 = tpu.memref_slice %arg7[%dma_start3A_428, %dma_start3A_429] : memref<128x128xf32, #tpu.memory_space<vmem>> -> memref<64x128xf32, #tpu.memory_space<vmem>>
        %dma_start3A_431 = arith.constant 0 : i32
        %dma_start3A_432 = tpu.memref_slice %arg8[%run_scoped3A_230, %dma_start3A_431] : memref<8x128xi32, #tpu.memory_space<vmem>> -> memref<1x64xi32, #tpu.memory_space<vmem>>
        %dma_start3A_433 = tpu.memref_squeeze %dma_start3A_432 : memref<1x64xi32, #tpu.memory_space<vmem>> -> memref<64xi32, #tpu.memory_space<vmem>>
        %dma_start3A_434 = arith.constant 0 : i32
        %dma_start3A_435 = arith.constant 0 : i32
        %dma_start3A_436 = tpu.memref_slice %arg10[%dma_start3A_434, %dma_start3A_435] : memref<10240x128xf32, #tpu.memory_space<vmem_shared>> -> memref<10240x128xf32, #tpu.memory_space<vmem_shared>>
        tpu.enqueue_indirect_dma source(%dma_start3A_430 : memref<64x128xf32, #tpu.memory_space<vmem>>) target(%dma_start3A_436 : memref<10240x128xf32, #tpu.memory_space<vmem_shared>>) offsets(%dma_start3A_433 : memref<64xi32, #tpu.memory_space<vmem>>) semaphore(%run_scoped3A_427 : memref<!tpu.dma_semaphore, #tpu.memory_space<semaphore_mem>>) {add = true}
        %dma_wait3A_437 = arith.constant 0 : i32
        %dma_wait3A_438 = arith.constant 0 : i32
        %dma_wait3A_439 = tpu.memref_slice %arg7[%dma_wait3A_437, %dma_wait3A_438] : memref<128x128xf32, #tpu.memory_space<vmem>> -> memref<64x128xf32, #tpu.memory_space<vmem>>
        %dma_wait3A_440 = arith.constant 0 : i32
        %dma_wait3A_441 = tpu.memref_slice %arg8[%run_scoped3A_230, %dma_wait3A_440] : memref<8x128xi32, #tpu.memory_space<vmem>> -> memref<1x64xi32, #tpu.memory_space<vmem>>
        %dma_wait3A_442 = tpu.memref_squeeze %dma_wait3A_441 : memref<1x64xi32, #tpu.memory_space<vmem>> -> memref<64xi32, #tpu.memory_space<vmem>>
        %dma_wait3A_443 = arith.constant 0 : i32
        %dma_wait3A_444 = arith.constant 0 : i32
        %dma_wait3A_445 = tpu.memref_slice %arg10[%dma_wait3A_443, %dma_wait3A_444] : memref<10240x128xf32, #tpu.memory_space<vmem_shared>> -> memref<10240x128xf32, #tpu.memory_space<vmem_shared>>
        tpu.wait_indirect_dma semaphore(%run_scoped3A_427 : memref<!tpu.dma_semaphore, #tpu.memory_space<semaphore_mem>>) src(%dma_wait3A_439 : memref<64x128xf32, #tpu.memory_space<vmem>>) dst(%dma_wait3A_445 : memref<10240x128xf32, #tpu.memory_space<vmem_shared>>)
        tpu.yield
      }) : () -> ()
      %add3A_231 = arith.constant 512 : i32
      %add3A_232 = arith.addi %add3A_45, %add3A_231 : i32
      %dma_start3A_233 = arith.constant 0 : i32
      %dma_start3A_234 = arith.constant 0 : i32
      %dma_start3A_235 = tpu.memref_slice %arg7[%dma_start3A_233, %dma_start3A_234] : memref<128x128xf32, #tpu.memory_space<vmem>> -> memref<64x128xf32, #tpu.memory_space<vmem>>
      %dma_start3A_236 = arith.constant 0 : i32
      %dma_start3A_237 = tpu.memref_slice %arg2[%add3A_232, %dma_start3A_236] : memref<327680x128xf32, #tpu.memory_space<hbm>> -> memref<64x128xf32, #tpu.memory_space<hbm>>
      %dma_start3A_238 = arith.constant 0 : i32
      %dma_start3A_239 = arith.constant 0 : i32
      %dma_start3A_240 = tpu.memref_slice %arg7[%dma_start3A_238, %dma_start3A_239] : memref<128x128xf32, #tpu.memory_space<vmem>> -> memref<64x128xf32, #tpu.memory_space<vmem>>
      %dma_start3A_241 = arith.constant 0 : i32
      %dma_start3A_242 = tpu.memref_slice %arg2[%add3A_232, %dma_start3A_241] : memref<327680x128xf32, #tpu.memory_space<hbm>> -> memref<64x128xf32, #tpu.memory_space<hbm>>
      tpu.enqueue_dma source(%dma_start3A_242 : memref<64x128xf32, #tpu.memory_space<hbm>>) target(%dma_start3A_240 : memref<64x128xf32, #tpu.memory_space<vmem>>) target_semaphore(%arg11 : memref<!tpu.dma_semaphore, #tpu.memory_space<semaphore_mem>>)
      %dma_wait3A_243 = arith.constant 64 : i32
      %dma_wait3A_244 = arith.constant 0 : i32
      %dma_wait3A_245 = tpu.memref_slice %arg7[%dma_wait3A_243, %dma_wait3A_244] : memref<128x128xf32, #tpu.memory_space<vmem>> -> memref<64x128xf32, #tpu.memory_space<vmem>>
      %dma_wait3A_246 = arith.constant 0 : i32
      %dma_wait3A_247 = tpu.memref_slice %arg2[%add3A_209, %dma_wait3A_246] : memref<327680x128xf32, #tpu.memory_space<hbm>> -> memref<64x128xf32, #tpu.memory_space<hbm>>
      %dma_wait3A_248 = arith.constant 64 : i32
      %dma_wait3A_249 = arith.constant 0 : i32
      %dma_wait3A_250 = tpu.memref_slice %arg7[%dma_wait3A_248, %dma_wait3A_249] : memref<128x128xf32, #tpu.memory_space<vmem>> -> memref<64x128xf32, #tpu.memory_space<vmem>>
      %dma_wait3A_251 = arith.constant 0 : i32
      %dma_wait3A_252 = tpu.memref_slice %arg2[%add3A_209, %dma_wait3A_251] : memref<327680x128xf32, #tpu.memory_space<hbm>> -> memref<64x128xf32, #tpu.memory_space<hbm>>
      tpu.wait_dma2 semaphore(%arg12 : memref<!tpu.dma_semaphore, #tpu.memory_space<semaphore_mem>>) src(%dma_wait3A_252 : memref<64x128xf32, #tpu.memory_space<hbm>>) dst(%dma_wait3A_250 : memref<64x128xf32, #tpu.memory_space<vmem>>)
      %run_scoped3A_253 = arith.constant 3 : i32
      "tpu.region"() ({
        %run_scoped3A_427 = tpu.sem_alloc : memref<!tpu.dma_semaphore, #tpu.memory_space<semaphore_mem>>
        %dma_start3A_428 = arith.constant 64 : i32
        %dma_start3A_429 = arith.constant 0 : i32
        %dma_start3A_430 = tpu.memref_slice %arg7[%dma_start3A_428, %dma_start3A_429] : memref<128x128xf32, #tpu.memory_space<vmem>> -> memref<64x128xf32, #tpu.memory_space<vmem>>
        %dma_start3A_431 = arith.constant 64 : i32
        %dma_start3A_432 = tpu.memref_slice %arg8[%run_scoped3A_253, %dma_start3A_431] : memref<8x128xi32, #tpu.memory_space<vmem>> -> memref<1x64xi32, #tpu.memory_space<vmem>>
        %dma_start3A_433 = tpu.memref_squeeze %dma_start3A_432 : memref<1x64xi32, #tpu.memory_space<vmem>> -> memref<64xi32, #tpu.memory_space<vmem>>
        %dma_start3A_434 = arith.constant 0 : i32
        %dma_start3A_435 = arith.constant 0 : i32
        %dma_start3A_436 = tpu.memref_slice %arg10[%dma_start3A_434, %dma_start3A_435] : memref<10240x128xf32, #tpu.memory_space<vmem_shared>> -> memref<10240x128xf32, #tpu.memory_space<vmem_shared>>
        tpu.enqueue_indirect_dma source(%dma_start3A_430 : memref<64x128xf32, #tpu.memory_space<vmem>>) target(%dma_start3A_436 : memref<10240x128xf32, #tpu.memory_space<vmem_shared>>) offsets(%dma_start3A_433 : memref<64xi32, #tpu.memory_space<vmem>>) semaphore(%run_scoped3A_427 : memref<!tpu.dma_semaphore, #tpu.memory_space<semaphore_mem>>) {add = true}
        %dma_wait3A_437 = arith.constant 64 : i32
        %dma_wait3A_438 = arith.constant 0 : i32
        %dma_wait3A_439 = tpu.memref_slice %arg7[%dma_wait3A_437, %dma_wait3A_438] : memref<128x128xf32, #tpu.memory_space<vmem>> -> memref<64x128xf32, #tpu.memory_space<vmem>>
        %dma_wait3A_440 = arith.constant 64 : i32
        %dma_wait3A_441 = tpu.memref_slice %arg8[%run_scoped3A_253, %dma_wait3A_440] : memref<8x128xi32, #tpu.memory_space<vmem>> -> memref<1x64xi32, #tpu.memory_space<vmem>>
        %dma_wait3A_442 = tpu.memref_squeeze %dma_wait3A_441 : memref<1x64xi32, #tpu.memory_space<vmem>> -> memref<64xi32, #tpu.memory_space<vmem>>
        %dma_wait3A_443 = arith.constant 0 : i32
        %dma_wait3A_444 = arith.constant 0 : i32
        %dma_wait3A_445 = tpu.memref_slice %arg10[%dma_wait3A_443, %dma_wait3A_444] : memref<10240x128xf32, #tpu.memory_space<vmem_shared>> -> memref<10240x128xf32, #tpu.memory_space<vmem_shared>>
        tpu.wait_indirect_dma semaphore(%run_scoped3A_427 : memref<!tpu.dma_semaphore, #tpu.memory_space<semaphore_mem>>) src(%dma_wait3A_439 : memref<64x128xf32, #tpu.memory_space<vmem>>) dst(%dma_wait3A_445 : memref<10240x128xf32, #tpu.memory_space<vmem_shared>>)
        tpu.yield
      }) : () -> ()
      %add3A_254 = arith.constant 576 : i32
      %add3A_255 = arith.addi %add3A_45, %add3A_254 : i32
      %dma_start3A_256 = arith.constant 64 : i32
      %dma_start3A_257 = arith.constant 0 : i32
      %dma_start3A_258 = tpu.memref_slice %arg7[%dma_start3A_256, %dma_start3A_257] : memref<128x128xf32, #tpu.memory_space<vmem>> -> memref<64x128xf32, #tpu.memory_space<vmem>>
      %dma_start3A_259 = arith.constant 0 : i32
      %dma_start3A_260 = tpu.memref_slice %arg2[%add3A_255, %dma_start3A_259] : memref<327680x128xf32, #tpu.memory_space<hbm>> -> memref<64x128xf32, #tpu.memory_space<hbm>>
      %dma_start3A_261 = arith.constant 64 : i32
      %dma_start3A_262 = arith.constant 0 : i32
      %dma_start3A_263 = tpu.memref_slice %arg7[%dma_start3A_261, %dma_start3A_262] : memref<128x128xf32, #tpu.memory_space<vmem>> -> memref<64x128xf32, #tpu.memory_space<vmem>>
      %dma_start3A_264 = arith.constant 0 : i32
      %dma_start3A_265 = tpu.memref_slice %arg2[%add3A_255, %dma_start3A_264] : memref<327680x128xf32, #tpu.memory_space<hbm>> -> memref<64x128xf32, #tpu.memory_space<hbm>>
      tpu.enqueue_dma source(%dma_start3A_265 : memref<64x128xf32, #tpu.memory_space<hbm>>) target(%dma_start3A_263 : memref<64x128xf32, #tpu.memory_space<vmem>>) target_semaphore(%arg12 : memref<!tpu.dma_semaphore, #tpu.memory_space<semaphore_mem>>)
      %dma_wait3A_266 = arith.constant 0 : i32
      %dma_wait3A_267 = arith.constant 0 : i32
      %dma_wait3A_268 = tpu.memref_slice %arg7[%dma_wait3A_266, %dma_wait3A_267] : memref<128x128xf32, #tpu.memory_space<vmem>> -> memref<64x128xf32, #tpu.memory_space<vmem>>
      %dma_wait3A_269 = arith.constant 0 : i32
      %dma_wait3A_270 = tpu.memref_slice %arg2[%add3A_232, %dma_wait3A_269] : memref<327680x128xf32, #tpu.memory_space<hbm>> -> memref<64x128xf32, #tpu.memory_space<hbm>>
      %dma_wait3A_271 = arith.constant 0 : i32
      %dma_wait3A_272 = arith.constant 0 : i32
      %dma_wait3A_273 = tpu.memref_slice %arg7[%dma_wait3A_271, %dma_wait3A_272] : memref<128x128xf32, #tpu.memory_space<vmem>> -> memref<64x128xf32, #tpu.memory_space<vmem>>
      %dma_wait3A_274 = arith.constant 0 : i32
      %dma_wait3A_275 = tpu.memref_slice %arg2[%add3A_232, %dma_wait3A_274] : memref<327680x128xf32, #tpu.memory_space<hbm>> -> memref<64x128xf32, #tpu.memory_space<hbm>>
      tpu.wait_dma2 semaphore(%arg11 : memref<!tpu.dma_semaphore, #tpu.memory_space<semaphore_mem>>) src(%dma_wait3A_275 : memref<64x128xf32, #tpu.memory_space<hbm>>) dst(%dma_wait3A_273 : memref<64x128xf32, #tpu.memory_space<vmem>>)
      %run_scoped3A_276 = arith.constant 4 : i32
      "tpu.region"() ({
        %run_scoped3A_427 = tpu.sem_alloc : memref<!tpu.dma_semaphore, #tpu.memory_space<semaphore_mem>>
        %dma_start3A_428 = arith.constant 0 : i32
        %dma_start3A_429 = arith.constant 0 : i32
        %dma_start3A_430 = tpu.memref_slice %arg7[%dma_start3A_428, %dma_start3A_429] : memref<128x128xf32, #tpu.memory_space<vmem>> -> memref<64x128xf32, #tpu.memory_space<vmem>>
        %dma_start3A_431 = arith.constant 0 : i32
        %dma_start3A_432 = tpu.memref_slice %arg8[%run_scoped3A_276, %dma_start3A_431] : memref<8x128xi32, #tpu.memory_space<vmem>> -> memref<1x64xi32, #tpu.memory_space<vmem>>
        %dma_start3A_433 = tpu.memref_squeeze %dma_start3A_432 : memref<1x64xi32, #tpu.memory_space<vmem>> -> memref<64xi32, #tpu.memory_space<vmem>>
        %dma_start3A_434 = arith.constant 0 : i32
        %dma_start3A_435 = arith.constant 0 : i32
        %dma_start3A_436 = tpu.memref_slice %arg10[%dma_start3A_434, %dma_start3A_435] : memref<10240x128xf32, #tpu.memory_space<vmem_shared>> -> memref<10240x128xf32, #tpu.memory_space<vmem_shared>>
        tpu.enqueue_indirect_dma source(%dma_start3A_430 : memref<64x128xf32, #tpu.memory_space<vmem>>) target(%dma_start3A_436 : memref<10240x128xf32, #tpu.memory_space<vmem_shared>>) offsets(%dma_start3A_433 : memref<64xi32, #tpu.memory_space<vmem>>) semaphore(%run_scoped3A_427 : memref<!tpu.dma_semaphore, #tpu.memory_space<semaphore_mem>>) {add = true}
        %dma_wait3A_437 = arith.constant 0 : i32
        %dma_wait3A_438 = arith.constant 0 : i32
        %dma_wait3A_439 = tpu.memref_slice %arg7[%dma_wait3A_437, %dma_wait3A_438] : memref<128x128xf32, #tpu.memory_space<vmem>> -> memref<64x128xf32, #tpu.memory_space<vmem>>
        %dma_wait3A_440 = arith.constant 0 : i32
        %dma_wait3A_441 = tpu.memref_slice %arg8[%run_scoped3A_276, %dma_wait3A_440] : memref<8x128xi32, #tpu.memory_space<vmem>> -> memref<1x64xi32, #tpu.memory_space<vmem>>
        %dma_wait3A_442 = tpu.memref_squeeze %dma_wait3A_441 : memref<1x64xi32, #tpu.memory_space<vmem>> -> memref<64xi32, #tpu.memory_space<vmem>>
        %dma_wait3A_443 = arith.constant 0 : i32
        %dma_wait3A_444 = arith.constant 0 : i32
        %dma_wait3A_445 = tpu.memref_slice %arg10[%dma_wait3A_443, %dma_wait3A_444] : memref<10240x128xf32, #tpu.memory_space<vmem_shared>> -> memref<10240x128xf32, #tpu.memory_space<vmem_shared>>
        tpu.wait_indirect_dma semaphore(%run_scoped3A_427 : memref<!tpu.dma_semaphore, #tpu.memory_space<semaphore_mem>>) src(%dma_wait3A_439 : memref<64x128xf32, #tpu.memory_space<vmem>>) dst(%dma_wait3A_445 : memref<10240x128xf32, #tpu.memory_space<vmem_shared>>)
        tpu.yield
      }) : () -> ()
      %add3A_277 = arith.constant 640 : i32
      %add3A_278 = arith.addi %add3A_45, %add3A_277 : i32
      %dma_start3A_279 = arith.constant 0 : i32
      %dma_start3A_280 = arith.constant 0 : i32
      %dma_start3A_281 = tpu.memref_slice %arg7[%dma_start3A_279, %dma_start3A_280] : memref<128x128xf32, #tpu.memory_space<vmem>> -> memref<64x128xf32, #tpu.memory_space<vmem>>
      %dma_start3A_282 = arith.constant 0 : i32
      %dma_start3A_283 = tpu.memref_slice %arg2[%add3A_278, %dma_start3A_282] : memref<327680x128xf32, #tpu.memory_space<hbm>> -> memref<64x128xf32, #tpu.memory_space<hbm>>
      %dma_start3A_284 = arith.constant 0 : i32
      %dma_start3A_285 = arith.constant 0 : i32
      %dma_start3A_286 = tpu.memref_slice %arg7[%dma_start3A_284, %dma_start3A_285] : memref<128x128xf32, #tpu.memory_space<vmem>> -> memref<64x128xf32, #tpu.memory_space<vmem>>
      %dma_start3A_287 = arith.constant 0 : i32
      %dma_start3A_288 = tpu.memref_slice %arg2[%add3A_278, %dma_start3A_287] : memref<327680x128xf32, #tpu.memory_space<hbm>> -> memref<64x128xf32, #tpu.memory_space<hbm>>
      tpu.enqueue_dma source(%dma_start3A_288 : memref<64x128xf32, #tpu.memory_space<hbm>>) target(%dma_start3A_286 : memref<64x128xf32, #tpu.memory_space<vmem>>) target_semaphore(%arg11 : memref<!tpu.dma_semaphore, #tpu.memory_space<semaphore_mem>>)
      %dma_wait3A_289 = arith.constant 64 : i32
      %dma_wait3A_290 = arith.constant 0 : i32
      %dma_wait3A_291 = tpu.memref_slice %arg7[%dma_wait3A_289, %dma_wait3A_290] : memref<128x128xf32, #tpu.memory_space<vmem>> -> memref<64x128xf32, #tpu.memory_space<vmem>>
      %dma_wait3A_292 = arith.constant 0 : i32
      %dma_wait3A_293 = tpu.memref_slice %arg2[%add3A_255, %dma_wait3A_292] : memref<327680x128xf32, #tpu.memory_space<hbm>> -> memref<64x128xf32, #tpu.memory_space<hbm>>
      %dma_wait3A_294 = arith.constant 64 : i32
      %dma_wait3A_295 = arith.constant 0 : i32
      %dma_wait3A_296 = tpu.memref_slice %arg7[%dma_wait3A_294, %dma_wait3A_295] : memref<128x128xf32, #tpu.memory_space<vmem>> -> memref<64x128xf32, #tpu.memory_space<vmem>>
      %dma_wait3A_297 = arith.constant 0 : i32
      %dma_wait3A_298 = tpu.memref_slice %arg2[%add3A_255, %dma_wait3A_297] : memref<327680x128xf32, #tpu.memory_space<hbm>> -> memref<64x128xf32, #tpu.memory_space<hbm>>
      tpu.wait_dma2 semaphore(%arg12 : memref<!tpu.dma_semaphore, #tpu.memory_space<semaphore_mem>>) src(%dma_wait3A_298 : memref<64x128xf32, #tpu.memory_space<hbm>>) dst(%dma_wait3A_296 : memref<64x128xf32, #tpu.memory_space<vmem>>)
      %run_scoped3A_299 = arith.constant 4 : i32
      "tpu.region"() ({
        %run_scoped3A_427 = tpu.sem_alloc : memref<!tpu.dma_semaphore, #tpu.memory_space<semaphore_mem>>
        %dma_start3A_428 = arith.constant 64 : i32
        %dma_start3A_429 = arith.constant 0 : i32
        %dma_start3A_430 = tpu.memref_slice %arg7[%dma_start3A_428, %dma_start3A_429] : memref<128x128xf32, #tpu.memory_space<vmem>> -> memref<64x128xf32, #tpu.memory_space<vmem>>
        %dma_start3A_431 = arith.constant 64 : i32
        %dma_start3A_432 = tpu.memref_slice %arg8[%run_scoped3A_299, %dma_start3A_431] : memref<8x128xi32, #tpu.memory_space<vmem>> -> memref<1x64xi32, #tpu.memory_space<vmem>>
        %dma_start3A_433 = tpu.memref_squeeze %dma_start3A_432 : memref<1x64xi32, #tpu.memory_space<vmem>> -> memref<64xi32, #tpu.memory_space<vmem>>
        %dma_start3A_434 = arith.constant 0 : i32
        %dma_start3A_435 = arith.constant 0 : i32
        %dma_start3A_436 = tpu.memref_slice %arg10[%dma_start3A_434, %dma_start3A_435] : memref<10240x128xf32, #tpu.memory_space<vmem_shared>> -> memref<10240x128xf32, #tpu.memory_space<vmem_shared>>
        tpu.enqueue_indirect_dma source(%dma_start3A_430 : memref<64x128xf32, #tpu.memory_space<vmem>>) target(%dma_start3A_436 : memref<10240x128xf32, #tpu.memory_space<vmem_shared>>) offsets(%dma_start3A_433 : memref<64xi32, #tpu.memory_space<vmem>>) semaphore(%run_scoped3A_427 : memref<!tpu.dma_semaphore, #tpu.memory_space<semaphore_mem>>) {add = true}
        %dma_wait3A_437 = arith.constant 64 : i32
        %dma_wait3A_438 = arith.constant 0 : i32
        %dma_wait3A_439 = tpu.memref_slice %arg7[%dma_wait3A_437, %dma_wait3A_438] : memref<128x128xf32, #tpu.memory_space<vmem>> -> memref<64x128xf32, #tpu.memory_space<vmem>>
        %dma_wait3A_440 = arith.constant 64 : i32
        %dma_wait3A_441 = tpu.memref_slice %arg8[%run_scoped3A_299, %dma_wait3A_440] : memref<8x128xi32, #tpu.memory_space<vmem>> -> memref<1x64xi32, #tpu.memory_space<vmem>>
        %dma_wait3A_442 = tpu.memref_squeeze %dma_wait3A_441 : memref<1x64xi32, #tpu.memory_space<vmem>> -> memref<64xi32, #tpu.memory_space<vmem>>
        %dma_wait3A_443 = arith.constant 0 : i32
        %dma_wait3A_444 = arith.constant 0 : i32
        %dma_wait3A_445 = tpu.memref_slice %arg10[%dma_wait3A_443, %dma_wait3A_444] : memref<10240x128xf32, #tpu.memory_space<vmem_shared>> -> memref<10240x128xf32, #tpu.memory_space<vmem_shared>>
        tpu.wait_indirect_dma semaphore(%run_scoped3A_427 : memref<!tpu.dma_semaphore, #tpu.memory_space<semaphore_mem>>) src(%dma_wait3A_439 : memref<64x128xf32, #tpu.memory_space<vmem>>) dst(%dma_wait3A_445 : memref<10240x128xf32, #tpu.memory_space<vmem_shared>>)
        tpu.yield
      }) : () -> ()
      %add3A_300 = arith.constant 704 : i32
      %add3A_301 = arith.addi %add3A_45, %add3A_300 : i32
      %dma_start3A_302 = arith.constant 64 : i32
      %dma_start3A_303 = arith.constant 0 : i32
      %dma_start3A_304 = tpu.memref_slice %arg7[%dma_start3A_302, %dma_start3A_303] : memref<128x128xf32, #tpu.memory_space<vmem>> -> memref<64x128xf32, #tpu.memory_space<vmem>>
      %dma_start3A_305 = arith.constant 0 : i32
      %dma_start3A_306 = tpu.memref_slice %arg2[%add3A_301, %dma_start3A_305] : memref<327680x128xf32, #tpu.memory_space<hbm>> -> memref<64x128xf32, #tpu.memory_space<hbm>>
      %dma_start3A_307 = arith.constant 64 : i32
      %dma_start3A_308 = arith.constant 0 : i32
      %dma_start3A_309 = tpu.memref_slice %arg7[%dma_start3A_307, %dma_start3A_308] : memref<128x128xf32, #tpu.memory_space<vmem>> -> memref<64x128xf32, #tpu.memory_space<vmem>>
      %dma_start3A_310 = arith.constant 0 : i32
      %dma_start3A_311 = tpu.memref_slice %arg2[%add3A_301, %dma_start3A_310] : memref<327680x128xf32, #tpu.memory_space<hbm>> -> memref<64x128xf32, #tpu.memory_space<hbm>>
      tpu.enqueue_dma source(%dma_start3A_311 : memref<64x128xf32, #tpu.memory_space<hbm>>) target(%dma_start3A_309 : memref<64x128xf32, #tpu.memory_space<vmem>>) target_semaphore(%arg12 : memref<!tpu.dma_semaphore, #tpu.memory_space<semaphore_mem>>)
      %dma_wait3A_312 = arith.constant 0 : i32
      %dma_wait3A_313 = arith.constant 0 : i32
      %dma_wait3A_314 = tpu.memref_slice %arg7[%dma_wait3A_312, %dma_wait3A_313] : memref<128x128xf32, #tpu.memory_space<vmem>> -> memref<64x128xf32, #tpu.memory_space<vmem>>
      %dma_wait3A_315 = arith.constant 0 : i32
      %dma_wait3A_316 = tpu.memref_slice %arg2[%add3A_278, %dma_wait3A_315] : memref<327680x128xf32, #tpu.memory_space<hbm>> -> memref<64x128xf32, #tpu.memory_space<hbm>>
      %dma_wait3A_317 = arith.constant 0 : i32
      %dma_wait3A_318 = arith.constant 0 : i32
      %dma_wait3A_319 = tpu.memref_slice %arg7[%dma_wait3A_317, %dma_wait3A_318] : memref<128x128xf32, #tpu.memory_space<vmem>> -> memref<64x128xf32, #tpu.memory_space<vmem>>
      %dma_wait3A_320 = arith.constant 0 : i32
      %dma_wait3A_321 = tpu.memref_slice %arg2[%add3A_278, %dma_wait3A_320] : memref<327680x128xf32, #tpu.memory_space<hbm>> -> memref<64x128xf32, #tpu.memory_space<hbm>>
      tpu.wait_dma2 semaphore(%arg11 : memref<!tpu.dma_semaphore, #tpu.memory_space<semaphore_mem>>) src(%dma_wait3A_321 : memref<64x128xf32, #tpu.memory_space<hbm>>) dst(%dma_wait3A_319 : memref<64x128xf32, #tpu.memory_space<vmem>>)
      %run_scoped3A_322 = arith.constant 5 : i32
      "tpu.region"() ({
        %run_scoped3A_427 = tpu.sem_alloc : memref<!tpu.dma_semaphore, #tpu.memory_space<semaphore_mem>>
        %dma_start3A_428 = arith.constant 0 : i32
        %dma_start3A_429 = arith.constant 0 : i32
        %dma_start3A_430 = tpu.memref_slice %arg7[%dma_start3A_428, %dma_start3A_429] : memref<128x128xf32, #tpu.memory_space<vmem>> -> memref<64x128xf32, #tpu.memory_space<vmem>>
        %dma_start3A_431 = arith.constant 0 : i32
        %dma_start3A_432 = tpu.memref_slice %arg8[%run_scoped3A_322, %dma_start3A_431] : memref<8x128xi32, #tpu.memory_space<vmem>> -> memref<1x64xi32, #tpu.memory_space<vmem>>
        %dma_start3A_433 = tpu.memref_squeeze %dma_start3A_432 : memref<1x64xi32, #tpu.memory_space<vmem>> -> memref<64xi32, #tpu.memory_space<vmem>>
        %dma_start3A_434 = arith.constant 0 : i32
        %dma_start3A_435 = arith.constant 0 : i32
        %dma_start3A_436 = tpu.memref_slice %arg10[%dma_start3A_434, %dma_start3A_435] : memref<10240x128xf32, #tpu.memory_space<vmem_shared>> -> memref<10240x128xf32, #tpu.memory_space<vmem_shared>>
        tpu.enqueue_indirect_dma source(%dma_start3A_430 : memref<64x128xf32, #tpu.memory_space<vmem>>) target(%dma_start3A_436 : memref<10240x128xf32, #tpu.memory_space<vmem_shared>>) offsets(%dma_start3A_433 : memref<64xi32, #tpu.memory_space<vmem>>) semaphore(%run_scoped3A_427 : memref<!tpu.dma_semaphore, #tpu.memory_space<semaphore_mem>>) {add = true}
        %dma_wait3A_437 = arith.constant 0 : i32
        %dma_wait3A_438 = arith.constant 0 : i32
        %dma_wait3A_439 = tpu.memref_slice %arg7[%dma_wait3A_437, %dma_wait3A_438] : memref<128x128xf32, #tpu.memory_space<vmem>> -> memref<64x128xf32, #tpu.memory_space<vmem>>
        %dma_wait3A_440 = arith.constant 0 : i32
        %dma_wait3A_441 = tpu.memref_slice %arg8[%run_scoped3A_322, %dma_wait3A_440] : memref<8x128xi32, #tpu.memory_space<vmem>> -> memref<1x64xi32, #tpu.memory_space<vmem>>
        %dma_wait3A_442 = tpu.memref_squeeze %dma_wait3A_441 : memref<1x64xi32, #tpu.memory_space<vmem>> -> memref<64xi32, #tpu.memory_space<vmem>>
        %dma_wait3A_443 = arith.constant 0 : i32
        %dma_wait3A_444 = arith.constant 0 : i32
        %dma_wait3A_445 = tpu.memref_slice %arg10[%dma_wait3A_443, %dma_wait3A_444] : memref<10240x128xf32, #tpu.memory_space<vmem_shared>> -> memref<10240x128xf32, #tpu.memory_space<vmem_shared>>
        tpu.wait_indirect_dma semaphore(%run_scoped3A_427 : memref<!tpu.dma_semaphore, #tpu.memory_space<semaphore_mem>>) src(%dma_wait3A_439 : memref<64x128xf32, #tpu.memory_space<vmem>>) dst(%dma_wait3A_445 : memref<10240x128xf32, #tpu.memory_space<vmem_shared>>)
        tpu.yield
      }) : () -> ()
      %add3A_323 = arith.constant 768 : i32
      %add3A_324 = arith.addi %add3A_45, %add3A_323 : i32
      %dma_start3A_325 = arith.constant 0 : i32
      %dma_start3A_326 = arith.constant 0 : i32
      %dma_start3A_327 = tpu.memref_slice %arg7[%dma_start3A_325, %dma_start3A_326] : memref<128x128xf32, #tpu.memory_space<vmem>> -> memref<64x128xf32, #tpu.memory_space<vmem>>
      %dma_start3A_328 = arith.constant 0 : i32
      %dma_start3A_329 = tpu.memref_slice %arg2[%add3A_324, %dma_start3A_328] : memref<327680x128xf32, #tpu.memory_space<hbm>> -> memref<64x128xf32, #tpu.memory_space<hbm>>
      %dma_start3A_330 = arith.constant 0 : i32
      %dma_start3A_331 = arith.constant 0 : i32
      %dma_start3A_332 = tpu.memref_slice %arg7[%dma_start3A_330, %dma_start3A_331] : memref<128x128xf32, #tpu.memory_space<vmem>> -> memref<64x128xf32, #tpu.memory_space<vmem>>
      %dma_start3A_333 = arith.constant 0 : i32
      %dma_start3A_334 = tpu.memref_slice %arg2[%add3A_324, %dma_start3A_333] : memref<327680x128xf32, #tpu.memory_space<hbm>> -> memref<64x128xf32, #tpu.memory_space<hbm>>
      tpu.enqueue_dma source(%dma_start3A_334 : memref<64x128xf32, #tpu.memory_space<hbm>>) target(%dma_start3A_332 : memref<64x128xf32, #tpu.memory_space<vmem>>) target_semaphore(%arg11 : memref<!tpu.dma_semaphore, #tpu.memory_space<semaphore_mem>>)
      %dma_wait3A_335 = arith.constant 64 : i32
      %dma_wait3A_336 = arith.constant 0 : i32
      %dma_wait3A_337 = tpu.memref_slice %arg7[%dma_wait3A_335, %dma_wait3A_336] : memref<128x128xf32, #tpu.memory_space<vmem>> -> memref<64x128xf32, #tpu.memory_space<vmem>>
      %dma_wait3A_338 = arith.constant 0 : i32
      %dma_wait3A_339 = tpu.memref_slice %arg2[%add3A_301, %dma_wait3A_338] : memref<327680x128xf32, #tpu.memory_space<hbm>> -> memref<64x128xf32, #tpu.memory_space<hbm>>
      %dma_wait3A_340 = arith.constant 64 : i32
      %dma_wait3A_341 = arith.constant 0 : i32
      %dma_wait3A_342 = tpu.memref_slice %arg7[%dma_wait3A_340, %dma_wait3A_341] : memref<128x128xf32, #tpu.memory_space<vmem>> -> memref<64x128xf32, #tpu.memory_space<vmem>>
      %dma_wait3A_343 = arith.constant 0 : i32
      %dma_wait3A_344 = tpu.memref_slice %arg2[%add3A_301, %dma_wait3A_343] : memref<327680x128xf32, #tpu.memory_space<hbm>> -> memref<64x128xf32, #tpu.memory_space<hbm>>
      tpu.wait_dma2 semaphore(%arg12 : memref<!tpu.dma_semaphore, #tpu.memory_space<semaphore_mem>>) src(%dma_wait3A_344 : memref<64x128xf32, #tpu.memory_space<hbm>>) dst(%dma_wait3A_342 : memref<64x128xf32, #tpu.memory_space<vmem>>)
      %run_scoped3A_345 = arith.constant 5 : i32
      "tpu.region"() ({
        %run_scoped3A_427 = tpu.sem_alloc : memref<!tpu.dma_semaphore, #tpu.memory_space<semaphore_mem>>
        %dma_start3A_428 = arith.constant 64 : i32
        %dma_start3A_429 = arith.constant 0 : i32
        %dma_start3A_430 = tpu.memref_slice %arg7[%dma_start3A_428, %dma_start3A_429] : memref<128x128xf32, #tpu.memory_space<vmem>> -> memref<64x128xf32, #tpu.memory_space<vmem>>
        %dma_start3A_431 = arith.constant 64 : i32
        %dma_start3A_432 = tpu.memref_slice %arg8[%run_scoped3A_345, %dma_start3A_431] : memref<8x128xi32, #tpu.memory_space<vmem>> -> memref<1x64xi32, #tpu.memory_space<vmem>>
        %dma_start3A_433 = tpu.memref_squeeze %dma_start3A_432 : memref<1x64xi32, #tpu.memory_space<vmem>> -> memref<64xi32, #tpu.memory_space<vmem>>
        %dma_start3A_434 = arith.constant 0 : i32
        %dma_start3A_435 = arith.constant 0 : i32
        %dma_start3A_436 = tpu.memref_slice %arg10[%dma_start3A_434, %dma_start3A_435] : memref<10240x128xf32, #tpu.memory_space<vmem_shared>> -> memref<10240x128xf32, #tpu.memory_space<vmem_shared>>
        tpu.enqueue_indirect_dma source(%dma_start3A_430 : memref<64x128xf32, #tpu.memory_space<vmem>>) target(%dma_start3A_436 : memref<10240x128xf32, #tpu.memory_space<vmem_shared>>) offsets(%dma_start3A_433 : memref<64xi32, #tpu.memory_space<vmem>>) semaphore(%run_scoped3A_427 : memref<!tpu.dma_semaphore, #tpu.memory_space<semaphore_mem>>) {add = true}
        %dma_wait3A_437 = arith.constant 64 : i32
        %dma_wait3A_438 = arith.constant 0 : i32
        %dma_wait3A_439 = tpu.memref_slice %arg7[%dma_wait3A_437, %dma_wait3A_438] : memref<128x128xf32, #tpu.memory_space<vmem>> -> memref<64x128xf32, #tpu.memory_space<vmem>>
        %dma_wait3A_440 = arith.constant 64 : i32
        %dma_wait3A_441 = tpu.memref_slice %arg8[%run_scoped3A_345, %dma_wait3A_440] : memref<8x128xi32, #tpu.memory_space<vmem>> -> memref<1x64xi32, #tpu.memory_space<vmem>>
        %dma_wait3A_442 = tpu.memref_squeeze %dma_wait3A_441 : memref<1x64xi32, #tpu.memory_space<vmem>> -> memref<64xi32, #tpu.memory_space<vmem>>
        %dma_wait3A_443 = arith.constant 0 : i32
        %dma_wait3A_444 = arith.constant 0 : i32
        %dma_wait3A_445 = tpu.memref_slice %arg10[%dma_wait3A_443, %dma_wait3A_444] : memref<10240x128xf32, #tpu.memory_space<vmem_shared>> -> memref<10240x128xf32, #tpu.memory_space<vmem_shared>>
        tpu.wait_indirect_dma semaphore(%run_scoped3A_427 : memref<!tpu.dma_semaphore, #tpu.memory_space<semaphore_mem>>) src(%dma_wait3A_439 : memref<64x128xf32, #tpu.memory_space<vmem>>) dst(%dma_wait3A_445 : memref<10240x128xf32, #tpu.memory_space<vmem_shared>>)
        tpu.yield
      }) : () -> ()
      %add3A_346 = arith.constant 832 : i32
      %add3A_347 = arith.addi %add3A_45, %add3A_346 : i32
      %dma_start3A_348 = arith.constant 64 : i32
      %dma_start3A_349 = arith.constant 0 : i32
      %dma_start3A_350 = tpu.memref_slice %arg7[%dma_start3A_348, %dma_start3A_349] : memref<128x128xf32, #tpu.memory_space<vmem>> -> memref<64x128xf32, #tpu.memory_space<vmem>>
      %dma_start3A_351 = arith.constant 0 : i32
      %dma_start3A_352 = tpu.memref_slice %arg2[%add3A_347, %dma_start3A_351] : memref<327680x128xf32, #tpu.memory_space<hbm>> -> memref<64x128xf32, #tpu.memory_space<hbm>>
      %dma_start3A_353 = arith.constant 64 : i32
      %dma_start3A_354 = arith.constant 0 : i32
      %dma_start3A_355 = tpu.memref_slice %arg7[%dma_start3A_353, %dma_start3A_354] : memref<128x128xf32, #tpu.memory_space<vmem>> -> memref<64x128xf32, #tpu.memory_space<vmem>>
      %dma_start3A_356 = arith.constant 0 : i32
      %dma_start3A_357 = tpu.memref_slice %arg2[%add3A_347, %dma_start3A_356] : memref<327680x128xf32, #tpu.memory_space<hbm>> -> memref<64x128xf32, #tpu.memory_space<hbm>>
      tpu.enqueue_dma source(%dma_start3A_357 : memref<64x128xf32, #tpu.memory_space<hbm>>) target(%dma_start3A_355 : memref<64x128xf32, #tpu.memory_space<vmem>>) target_semaphore(%arg12 : memref<!tpu.dma_semaphore, #tpu.memory_space<semaphore_mem>>)
      %dma_wait3A_358 = arith.constant 0 : i32
      %dma_wait3A_359 = arith.constant 0 : i32
      %dma_wait3A_360 = tpu.memref_slice %arg7[%dma_wait3A_358, %dma_wait3A_359] : memref<128x128xf32, #tpu.memory_space<vmem>> -> memref<64x128xf32, #tpu.memory_space<vmem>>
      %dma_wait3A_361 = arith.constant 0 : i32
      %dma_wait3A_362 = tpu.memref_slice %arg2[%add3A_324, %dma_wait3A_361] : memref<327680x128xf32, #tpu.memory_space<hbm>> -> memref<64x128xf32, #tpu.memory_space<hbm>>
      %dma_wait3A_363 = arith.constant 0 : i32
      %dma_wait3A_364 = arith.constant 0 : i32
      %dma_wait3A_365 = tpu.memref_slice %arg7[%dma_wait3A_363, %dma_wait3A_364] : memref<128x128xf32, #tpu.memory_space<vmem>> -> memref<64x128xf32, #tpu.memory_space<vmem>>
      %dma_wait3A_366 = arith.constant 0 : i32
      %dma_wait3A_367 = tpu.memref_slice %arg2[%add3A_324, %dma_wait3A_366] : memref<327680x128xf32, #tpu.memory_space<hbm>> -> memref<64x128xf32, #tpu.memory_space<hbm>>
      tpu.wait_dma2 semaphore(%arg11 : memref<!tpu.dma_semaphore, #tpu.memory_space<semaphore_mem>>) src(%dma_wait3A_367 : memref<64x128xf32, #tpu.memory_space<hbm>>) dst(%dma_wait3A_365 : memref<64x128xf32, #tpu.memory_space<vmem>>)
      %run_scoped3A_368 = arith.constant 6 : i32
      "tpu.region"() ({
        %run_scoped3A_427 = tpu.sem_alloc : memref<!tpu.dma_semaphore, #tpu.memory_space<semaphore_mem>>
        %dma_start3A_428 = arith.constant 0 : i32
        %dma_start3A_429 = arith.constant 0 : i32
        %dma_start3A_430 = tpu.memref_slice %arg7[%dma_start3A_428, %dma_start3A_429] : memref<128x128xf32, #tpu.memory_space<vmem>> -> memref<64x128xf32, #tpu.memory_space<vmem>>
        %dma_start3A_431 = arith.constant 0 : i32
        %dma_start3A_432 = tpu.memref_slice %arg8[%run_scoped3A_368, %dma_start3A_431] : memref<8x128xi32, #tpu.memory_space<vmem>> -> memref<1x64xi32, #tpu.memory_space<vmem>>
        %dma_start3A_433 = tpu.memref_squeeze %dma_start3A_432 : memref<1x64xi32, #tpu.memory_space<vmem>> -> memref<64xi32, #tpu.memory_space<vmem>>
        %dma_start3A_434 = arith.constant 0 : i32
        %dma_start3A_435 = arith.constant 0 : i32
        %dma_start3A_436 = tpu.memref_slice %arg10[%dma_start3A_434, %dma_start3A_435] : memref<10240x128xf32, #tpu.memory_space<vmem_shared>> -> memref<10240x128xf32, #tpu.memory_space<vmem_shared>>
        tpu.enqueue_indirect_dma source(%dma_start3A_430 : memref<64x128xf32, #tpu.memory_space<vmem>>) target(%dma_start3A_436 : memref<10240x128xf32, #tpu.memory_space<vmem_shared>>) offsets(%dma_start3A_433 : memref<64xi32, #tpu.memory_space<vmem>>) semaphore(%run_scoped3A_427 : memref<!tpu.dma_semaphore, #tpu.memory_space<semaphore_mem>>) {add = true}
        %dma_wait3A_437 = arith.constant 0 : i32
        %dma_wait3A_438 = arith.constant 0 : i32
        %dma_wait3A_439 = tpu.memref_slice %arg7[%dma_wait3A_437, %dma_wait3A_438] : memref<128x128xf32, #tpu.memory_space<vmem>> -> memref<64x128xf32, #tpu.memory_space<vmem>>
        %dma_wait3A_440 = arith.constant 0 : i32
        %dma_wait3A_441 = tpu.memref_slice %arg8[%run_scoped3A_368, %dma_wait3A_440] : memref<8x128xi32, #tpu.memory_space<vmem>> -> memref<1x64xi32, #tpu.memory_space<vmem>>
        %dma_wait3A_442 = tpu.memref_squeeze %dma_wait3A_441 : memref<1x64xi32, #tpu.memory_space<vmem>> -> memref<64xi32, #tpu.memory_space<vmem>>
        %dma_wait3A_443 = arith.constant 0 : i32
        %dma_wait3A_444 = arith.constant 0 : i32
        %dma_wait3A_445 = tpu.memref_slice %arg10[%dma_wait3A_443, %dma_wait3A_444] : memref<10240x128xf32, #tpu.memory_space<vmem_shared>> -> memref<10240x128xf32, #tpu.memory_space<vmem_shared>>
        tpu.wait_indirect_dma semaphore(%run_scoped3A_427 : memref<!tpu.dma_semaphore, #tpu.memory_space<semaphore_mem>>) src(%dma_wait3A_439 : memref<64x128xf32, #tpu.memory_space<vmem>>) dst(%dma_wait3A_445 : memref<10240x128xf32, #tpu.memory_space<vmem_shared>>)
        tpu.yield
      }) : () -> ()
      %add3A_369 = arith.constant 896 : i32
      %add3A_370 = arith.addi %add3A_45, %add3A_369 : i32
      %dma_start3A_371 = arith.constant 0 : i32
      %dma_start3A_372 = arith.constant 0 : i32
      %dma_start3A_373 = tpu.memref_slice %arg7[%dma_start3A_371, %dma_start3A_372] : memref<128x128xf32, #tpu.memory_space<vmem>> -> memref<64x128xf32, #tpu.memory_space<vmem>>
      %dma_start3A_374 = arith.constant 0 : i32
      %dma_start3A_375 = tpu.memref_slice %arg2[%add3A_370, %dma_start3A_374] : memref<327680x128xf32, #tpu.memory_space<hbm>> -> memref<64x128xf32, #tpu.memory_space<hbm>>
      %dma_start3A_376 = arith.constant 0 : i32
      %dma_start3A_377 = arith.constant 0 : i32
      %dma_start3A_378 = tpu.memref_slice %arg7[%dma_start3A_376, %dma_start3A_377] : memref<128x128xf32, #tpu.memory_space<vmem>> -> memref<64x128xf32, #tpu.memory_space<vmem>>
      %dma_start3A_379 = arith.constant 0 : i32
      %dma_start3A_380 = tpu.memref_slice %arg2[%add3A_370, %dma_start3A_379] : memref<327680x128xf32, #tpu.memory_space<hbm>> -> memref<64x128xf32, #tpu.memory_space<hbm>>
      tpu.enqueue_dma source(%dma_start3A_380 : memref<64x128xf32, #tpu.memory_space<hbm>>) target(%dma_start3A_378 : memref<64x128xf32, #tpu.memory_space<vmem>>) target_semaphore(%arg11 : memref<!tpu.dma_semaphore, #tpu.memory_space<semaphore_mem>>)
      %dma_wait3A_381 = arith.constant 64 : i32
      %dma_wait3A_382 = arith.constant 0 : i32
      %dma_wait3A_383 = tpu.memref_slice %arg7[%dma_wait3A_381, %dma_wait3A_382] : memref<128x128xf32, #tpu.memory_space<vmem>> -> memref<64x128xf32, #tpu.memory_space<vmem>>
      %dma_wait3A_384 = arith.constant 0 : i32
      %dma_wait3A_385 = tpu.memref_slice %arg2[%add3A_347, %dma_wait3A_384] : memref<327680x128xf32, #tpu.memory_space<hbm>> -> memref<64x128xf32, #tpu.memory_space<hbm>>
      %dma_wait3A_386 = arith.constant 64 : i32
      %dma_wait3A_387 = arith.constant 0 : i32
      %dma_wait3A_388 = tpu.memref_slice %arg7[%dma_wait3A_386, %dma_wait3A_387] : memref<128x128xf32, #tpu.memory_space<vmem>> -> memref<64x128xf32, #tpu.memory_space<vmem>>
      %dma_wait3A_389 = arith.constant 0 : i32
      %dma_wait3A_390 = tpu.memref_slice %arg2[%add3A_347, %dma_wait3A_389] : memref<327680x128xf32, #tpu.memory_space<hbm>> -> memref<64x128xf32, #tpu.memory_space<hbm>>
      tpu.wait_dma2 semaphore(%arg12 : memref<!tpu.dma_semaphore, #tpu.memory_space<semaphore_mem>>) src(%dma_wait3A_390 : memref<64x128xf32, #tpu.memory_space<hbm>>) dst(%dma_wait3A_388 : memref<64x128xf32, #tpu.memory_space<vmem>>)
      %run_scoped3A_391 = arith.constant 6 : i32
      "tpu.region"() ({
        %run_scoped3A_427 = tpu.sem_alloc : memref<!tpu.dma_semaphore, #tpu.memory_space<semaphore_mem>>
        %dma_start3A_428 = arith.constant 64 : i32
        %dma_start3A_429 = arith.constant 0 : i32
        %dma_start3A_430 = tpu.memref_slice %arg7[%dma_start3A_428, %dma_start3A_429] : memref<128x128xf32, #tpu.memory_space<vmem>> -> memref<64x128xf32, #tpu.memory_space<vmem>>
        %dma_start3A_431 = arith.constant 64 : i32
        %dma_start3A_432 = tpu.memref_slice %arg8[%run_scoped3A_391, %dma_start3A_431] : memref<8x128xi32, #tpu.memory_space<vmem>> -> memref<1x64xi32, #tpu.memory_space<vmem>>
        %dma_start3A_433 = tpu.memref_squeeze %dma_start3A_432 : memref<1x64xi32, #tpu.memory_space<vmem>> -> memref<64xi32, #tpu.memory_space<vmem>>
        %dma_start3A_434 = arith.constant 0 : i32
        %dma_start3A_435 = arith.constant 0 : i32
        %dma_start3A_436 = tpu.memref_slice %arg10[%dma_start3A_434, %dma_start3A_435] : memref<10240x128xf32, #tpu.memory_space<vmem_shared>> -> memref<10240x128xf32, #tpu.memory_space<vmem_shared>>
        tpu.enqueue_indirect_dma source(%dma_start3A_430 : memref<64x128xf32, #tpu.memory_space<vmem>>) target(%dma_start3A_436 : memref<10240x128xf32, #tpu.memory_space<vmem_shared>>) offsets(%dma_start3A_433 : memref<64xi32, #tpu.memory_space<vmem>>) semaphore(%run_scoped3A_427 : memref<!tpu.dma_semaphore, #tpu.memory_space<semaphore_mem>>) {add = true}
        %dma_wait3A_437 = arith.constant 64 : i32
        %dma_wait3A_438 = arith.constant 0 : i32
        %dma_wait3A_439 = tpu.memref_slice %arg7[%dma_wait3A_437, %dma_wait3A_438] : memref<128x128xf32, #tpu.memory_space<vmem>> -> memref<64x128xf32, #tpu.memory_space<vmem>>
        %dma_wait3A_440 = arith.constant 64 : i32
        %dma_wait3A_441 = tpu.memref_slice %arg8[%run_scoped3A_391, %dma_wait3A_440] : memref<8x128xi32, #tpu.memory_space<vmem>> -> memref<1x64xi32, #tpu.memory_space<vmem>>
        %dma_wait3A_442 = tpu.memref_squeeze %dma_wait3A_441 : memref<1x64xi32, #tpu.memory_space<vmem>> -> memref<64xi32, #tpu.memory_space<vmem>>
        %dma_wait3A_443 = arith.constant 0 : i32
        %dma_wait3A_444 = arith.constant 0 : i32
        %dma_wait3A_445 = tpu.memref_slice %arg10[%dma_wait3A_443, %dma_wait3A_444] : memref<10240x128xf32, #tpu.memory_space<vmem_shared>> -> memref<10240x128xf32, #tpu.memory_space<vmem_shared>>
        tpu.wait_indirect_dma semaphore(%run_scoped3A_427 : memref<!tpu.dma_semaphore, #tpu.memory_space<semaphore_mem>>) src(%dma_wait3A_439 : memref<64x128xf32, #tpu.memory_space<vmem>>) dst(%dma_wait3A_445 : memref<10240x128xf32, #tpu.memory_space<vmem_shared>>)
        tpu.yield
      }) : () -> ()
      %add3A_392 = arith.constant 960 : i32
      %add3A_393 = arith.addi %add3A_45, %add3A_392 : i32
      %dma_start3A_394 = arith.constant 64 : i32
      %dma_start3A_395 = arith.constant 0 : i32
      %dma_start3A_396 = tpu.memref_slice %arg7[%dma_start3A_394, %dma_start3A_395] : memref<128x128xf32, #tpu.memory_space<vmem>> -> memref<64x128xf32, #tpu.memory_space<vmem>>
      %dma_start3A_397 = arith.constant 0 : i32
      %dma_start3A_398 = tpu.memref_slice %arg2[%add3A_393, %dma_start3A_397] : memref<327680x128xf32, #tpu.memory_space<hbm>> -> memref<64x128xf32, #tpu.memory_space<hbm>>
      %dma_start3A_399 = arith.constant 64 : i32
      %dma_start3A_400 = arith.constant 0 : i32
      %dma_start3A_401 = tpu.memref_slice %arg7[%dma_start3A_399, %dma_start3A_400] : memref<128x128xf32, #tpu.memory_space<vmem>> -> memref<64x128xf32, #tpu.memory_space<vmem>>
      %dma_start3A_402 = arith.constant 0 : i32
      %dma_start3A_403 = tpu.memref_slice %arg2[%add3A_393, %dma_start3A_402] : memref<327680x128xf32, #tpu.memory_space<hbm>> -> memref<64x128xf32, #tpu.memory_space<hbm>>
      tpu.enqueue_dma source(%dma_start3A_403 : memref<64x128xf32, #tpu.memory_space<hbm>>) target(%dma_start3A_401 : memref<64x128xf32, #tpu.memory_space<vmem>>) target_semaphore(%arg12 : memref<!tpu.dma_semaphore, #tpu.memory_space<semaphore_mem>>)
      %dma_wait3A_404 = arith.constant 0 : i32
      %dma_wait3A_405 = arith.constant 0 : i32
      %dma_wait3A_406 = tpu.memref_slice %arg7[%dma_wait3A_404, %dma_wait3A_405] : memref<128x128xf32, #tpu.memory_space<vmem>> -> memref<64x128xf32, #tpu.memory_space<vmem>>
      %dma_wait3A_407 = arith.constant 0 : i32
      %dma_wait3A_408 = tpu.memref_slice %arg2[%add3A_370, %dma_wait3A_407] : memref<327680x128xf32, #tpu.memory_space<hbm>> -> memref<64x128xf32, #tpu.memory_space<hbm>>
      %dma_wait3A_409 = arith.constant 0 : i32
      %dma_wait3A_410 = arith.constant 0 : i32
      %dma_wait3A_411 = tpu.memref_slice %arg7[%dma_wait3A_409, %dma_wait3A_410] : memref<128x128xf32, #tpu.memory_space<vmem>> -> memref<64x128xf32, #tpu.memory_space<vmem>>
      %dma_wait3A_412 = arith.constant 0 : i32
      %dma_wait3A_413 = tpu.memref_slice %arg2[%add3A_370, %dma_wait3A_412] : memref<327680x128xf32, #tpu.memory_space<hbm>> -> memref<64x128xf32, #tpu.memory_space<hbm>>
      tpu.wait_dma2 semaphore(%arg11 : memref<!tpu.dma_semaphore, #tpu.memory_space<semaphore_mem>>) src(%dma_wait3A_413 : memref<64x128xf32, #tpu.memory_space<hbm>>) dst(%dma_wait3A_411 : memref<64x128xf32, #tpu.memory_space<vmem>>)
      %run_scoped3A_414 = arith.constant 7 : i32
      "tpu.region"() ({
        %run_scoped3A_427 = tpu.sem_alloc : memref<!tpu.dma_semaphore, #tpu.memory_space<semaphore_mem>>
        %dma_start3A_428 = arith.constant 0 : i32
        %dma_start3A_429 = arith.constant 0 : i32
        %dma_start3A_430 = tpu.memref_slice %arg7[%dma_start3A_428, %dma_start3A_429] : memref<128x128xf32, #tpu.memory_space<vmem>> -> memref<64x128xf32, #tpu.memory_space<vmem>>
        %dma_start3A_431 = arith.constant 0 : i32
        %dma_start3A_432 = tpu.memref_slice %arg8[%run_scoped3A_414, %dma_start3A_431] : memref<8x128xi32, #tpu.memory_space<vmem>> -> memref<1x64xi32, #tpu.memory_space<vmem>>
        %dma_start3A_433 = tpu.memref_squeeze %dma_start3A_432 : memref<1x64xi32, #tpu.memory_space<vmem>> -> memref<64xi32, #tpu.memory_space<vmem>>
        %dma_start3A_434 = arith.constant 0 : i32
        %dma_start3A_435 = arith.constant 0 : i32
        %dma_start3A_436 = tpu.memref_slice %arg10[%dma_start3A_434, %dma_start3A_435] : memref<10240x128xf32, #tpu.memory_space<vmem_shared>> -> memref<10240x128xf32, #tpu.memory_space<vmem_shared>>
        tpu.enqueue_indirect_dma source(%dma_start3A_430 : memref<64x128xf32, #tpu.memory_space<vmem>>) target(%dma_start3A_436 : memref<10240x128xf32, #tpu.memory_space<vmem_shared>>) offsets(%dma_start3A_433 : memref<64xi32, #tpu.memory_space<vmem>>) semaphore(%run_scoped3A_427 : memref<!tpu.dma_semaphore, #tpu.memory_space<semaphore_mem>>) {add = true}
        %dma_wait3A_437 = arith.constant 0 : i32
        %dma_wait3A_438 = arith.constant 0 : i32
        %dma_wait3A_439 = tpu.memref_slice %arg7[%dma_wait3A_437, %dma_wait3A_438] : memref<128x128xf32, #tpu.memory_space<vmem>> -> memref<64x128xf32, #tpu.memory_space<vmem>>
        %dma_wait3A_440 = arith.constant 0 : i32
        %dma_wait3A_441 = tpu.memref_slice %arg8[%run_scoped3A_414, %dma_wait3A_440] : memref<8x128xi32, #tpu.memory_space<vmem>> -> memref<1x64xi32, #tpu.memory_space<vmem>>
        %dma_wait3A_442 = tpu.memref_squeeze %dma_wait3A_441 : memref<1x64xi32, #tpu.memory_space<vmem>> -> memref<64xi32, #tpu.memory_space<vmem>>
        %dma_wait3A_443 = arith.constant 0 : i32
        %dma_wait3A_444 = arith.constant 0 : i32
        %dma_wait3A_445 = tpu.memref_slice %arg10[%dma_wait3A_443, %dma_wait3A_444] : memref<10240x128xf32, #tpu.memory_space<vmem_shared>> -> memref<10240x128xf32, #tpu.memory_space<vmem_shared>>
        tpu.wait_indirect_dma semaphore(%run_scoped3A_427 : memref<!tpu.dma_semaphore, #tpu.memory_space<semaphore_mem>>) src(%dma_wait3A_439 : memref<64x128xf32, #tpu.memory_space<vmem>>) dst(%dma_wait3A_445 : memref<10240x128xf32, #tpu.memory_space<vmem_shared>>)
        tpu.yield
      }) : () -> ()
      %dma_wait3A_415 = arith.constant 64 : i32
      %dma_wait3A_416 = arith.constant 0 : i32
      %dma_wait3A_417 = tpu.memref_slice %arg7[%dma_wait3A_415, %dma_wait3A_416] : memref<128x128xf32, #tpu.memory_space<vmem>> -> memref<64x128xf32, #tpu.memory_space<vmem>>
      %dma_wait3A_418 = arith.constant 0 : i32
      %dma_wait3A_419 = tpu.memref_slice %arg2[%add3A_393, %dma_wait3A_418] : memref<327680x128xf32, #tpu.memory_space<hbm>> -> memref<64x128xf32, #tpu.memory_space<hbm>>
      %dma_wait3A_420 = arith.constant 64 : i32
      %dma_wait3A_421 = arith.constant 0 : i32
      %dma_wait3A_422 = tpu.memref_slice %arg7[%dma_wait3A_420, %dma_wait3A_421] : memref<128x128xf32, #tpu.memory_space<vmem>> -> memref<64x128xf32, #tpu.memory_space<vmem>>
      %dma_wait3A_423 = arith.constant 0 : i32
      %dma_wait3A_424 = tpu.memref_slice %arg2[%add3A_393, %dma_wait3A_423] : memref<327680x128xf32, #tpu.memory_space<hbm>> -> memref<64x128xf32, #tpu.memory_space<hbm>>
      tpu.wait_dma2 semaphore(%arg12 : memref<!tpu.dma_semaphore, #tpu.memory_space<semaphore_mem>>) src(%dma_wait3A_424 : memref<64x128xf32, #tpu.memory_space<hbm>>) dst(%dma_wait3A_422 : memref<64x128xf32, #tpu.memory_space<vmem>>)
      %run_scoped3A_425 = arith.constant 7 : i32
      "tpu.region"() ({
        %run_scoped3A_427 = tpu.sem_alloc : memref<!tpu.dma_semaphore, #tpu.memory_space<semaphore_mem>>
        %dma_start3A_428 = arith.constant 64 : i32
        %dma_start3A_429 = arith.constant 0 : i32
        %dma_start3A_430 = tpu.memref_slice %arg7[%dma_start3A_428, %dma_start3A_429] : memref<128x128xf32, #tpu.memory_space<vmem>> -> memref<64x128xf32, #tpu.memory_space<vmem>>
        %dma_start3A_431 = arith.constant 64 : i32
        %dma_start3A_432 = tpu.memref_slice %arg8[%run_scoped3A_425, %dma_start3A_431] : memref<8x128xi32, #tpu.memory_space<vmem>> -> memref<1x64xi32, #tpu.memory_space<vmem>>
        %dma_start3A_433 = tpu.memref_squeeze %dma_start3A_432 : memref<1x64xi32, #tpu.memory_space<vmem>> -> memref<64xi32, #tpu.memory_space<vmem>>
        %dma_start3A_434 = arith.constant 0 : i32
        %dma_start3A_435 = arith.constant 0 : i32
        %dma_start3A_436 = tpu.memref_slice %arg10[%dma_start3A_434, %dma_start3A_435] : memref<10240x128xf32, #tpu.memory_space<vmem_shared>> -> memref<10240x128xf32, #tpu.memory_space<vmem_shared>>
        tpu.enqueue_indirect_dma source(%dma_start3A_430 : memref<64x128xf32, #tpu.memory_space<vmem>>) target(%dma_start3A_436 : memref<10240x128xf32, #tpu.memory_space<vmem_shared>>) offsets(%dma_start3A_433 : memref<64xi32, #tpu.memory_space<vmem>>) semaphore(%run_scoped3A_427 : memref<!tpu.dma_semaphore, #tpu.memory_space<semaphore_mem>>) {add = true}
        %dma_wait3A_437 = arith.constant 64 : i32
        %dma_wait3A_438 = arith.constant 0 : i32
        %dma_wait3A_439 = tpu.memref_slice %arg7[%dma_wait3A_437, %dma_wait3A_438] : memref<128x128xf32, #tpu.memory_space<vmem>> -> memref<64x128xf32, #tpu.memory_space<vmem>>
        %dma_wait3A_440 = arith.constant 64 : i32
        %dma_wait3A_441 = tpu.memref_slice %arg8[%run_scoped3A_425, %dma_wait3A_440] : memref<8x128xi32, #tpu.memory_space<vmem>> -> memref<1x64xi32, #tpu.memory_space<vmem>>
        %dma_wait3A_442 = tpu.memref_squeeze %dma_wait3A_441 : memref<1x64xi32, #tpu.memory_space<vmem>> -> memref<64xi32, #tpu.memory_space<vmem>>
        %dma_wait3A_443 = arith.constant 0 : i32
        %dma_wait3A_444 = arith.constant 0 : i32
        %dma_wait3A_445 = tpu.memref_slice %arg10[%dma_wait3A_443, %dma_wait3A_444] : memref<10240x128xf32, #tpu.memory_space<vmem_shared>> -> memref<10240x128xf32, #tpu.memory_space<vmem_shared>>
        tpu.wait_indirect_dma semaphore(%run_scoped3A_427 : memref<!tpu.dma_semaphore, #tpu.memory_space<semaphore_mem>>) src(%dma_wait3A_439 : memref<64x128xf32, #tpu.memory_space<vmem>>) dst(%dma_wait3A_445 : memref<10240x128xf32, #tpu.memory_space<vmem_shared>>)
        tpu.yield
      }) : () -> ()
      %scan3A_426 = arith.constant 0 : i32
      scf.yield %scan3A_426 : i32
    }
    %scan3A_14 = arith.constant 10 : i32
    %barrier3A_15 = arith.constant 0 : index
    tpu.barrier barrier_id(%barrier3A_15)
    %run_scoped3A_16 = arith.constant 0 : i32
    "tpu.region"() ({
      %run_scoped3A_41 = tpu.sem_alloc : memref<!tpu.dma_semaphore, #tpu.memory_space<semaphore_mem>>
      %dma_start3A = arith.constant 0 : i32
      %dma_start3A_42 = tpu.memref_slice %arg9[%run_scoped3A_16, %dma_start3A] : memref<8x128xi32, #tpu.memory_space<vmem>> -> memref<1x128xi32, #tpu.memory_space<vmem>>
      %dma_start3A_43 = tpu.memref_squeeze %dma_start3A_42 : memref<1x128xi32, #tpu.memory_space<vmem>> -> memref<128xi32, #tpu.memory_space<vmem>>
      %dma_start3A_44 = arith.constant 0 : i32
      %dma_start3A_45 = arith.constant 0 : i32
      %dma_start3A_46 = tpu.memref_slice %arg10[%dma_start3A_44, %dma_start3A_45] : memref<10240x128xf32, #tpu.memory_space<vmem_shared>> -> memref<10240x128xf32, #tpu.memory_space<vmem_shared>>
      tpu.enqueue_indirect_dma source(%dma_start3A_46 : memref<10240x128xf32, #tpu.memory_space<vmem_shared>>) target(%arg7 : memref<128x128xf32, #tpu.memory_space<vmem>>) offsets(%dma_start3A_43 : memref<128xi32, #tpu.memory_space<vmem>>) semaphore(%run_scoped3A_41 : memref<!tpu.dma_semaphore, #tpu.memory_space<semaphore_mem>>)
      %dma_wait3A = arith.constant 0 : i32
      %dma_wait3A_47 = tpu.memref_slice %arg9[%run_scoped3A_16, %dma_wait3A] : memref<8x128xi32, #tpu.memory_space<vmem>> -> memref<1x128xi32, #tpu.memory_space<vmem>>
      %dma_wait3A_48 = tpu.memref_squeeze %dma_wait3A_47 : memref<1x128xi32, #tpu.memory_space<vmem>> -> memref<128xi32, #tpu.memory_space<vmem>>
      %dma_wait3A_49 = arith.constant 0 : i32
      %dma_wait3A_50 = arith.constant 0 : i32
      %dma_wait3A_51 = tpu.memref_slice %arg10[%dma_wait3A_49, %dma_wait3A_50] : memref<10240x128xf32, #tpu.memory_space<vmem_shared>> -> memref<10240x128xf32, #tpu.memory_space<vmem_shared>>
      tpu.wait_indirect_dma semaphore(%run_scoped3A_41 : memref<!tpu.dma_semaphore, #tpu.memory_space<semaphore_mem>>) src(%dma_wait3A_51 : memref<10240x128xf32, #tpu.memory_space<vmem_shared>>) dst(%arg7 : memref<128x128xf32, #tpu.memory_space<vmem>>)
      tpu.yield
    }) : () -> ()
    %mul3A_17 = arith.constant 640 : i32
    %mul3A_18 = arith.muli %arg1, %mul3A_17 : i32
    %add3A_19 = arith.constant 0 : i32
    %add3A_20 = arith.addi %mul3A_18, %add3A_19 : i32
    "tpu.region"() ({
      %run_scoped3A_41 = tpu.sem_alloc : memref<!tpu.dma_semaphore, #tpu.memory_space<semaphore_mem>>
      %dma_start3A = arith.constant 0 : i32
      %dma_start3A_42 = tpu.memref_slice %arg6[%arg0, %add3A_20, %dma_start3A] : memref<2x10240x128xf32, #tpu.memory_space<hbm>> -> memref<1x128x128xf32, #tpu.memory_space<hbm>>
      %dma_start3A_43 = tpu.memref_squeeze %dma_start3A_42 : memref<1x128x128xf32, #tpu.memory_space<hbm>> -> memref<128x128xf32, #tpu.memory_space<hbm>>
      %dma_start3A_44 = arith.constant 0 : i32
      %dma_start3A_45 = tpu.memref_slice %arg6[%arg0, %add3A_20, %dma_start3A_44] : memref<2x10240x128xf32, #tpu.memory_space<hbm>> -> memref<1x128x128xf32, #tpu.memory_space<hbm>>
      %dma_start3A_46 = tpu.memref_squeeze %dma_start3A_45 : memref<1x128x128xf32, #tpu.memory_space<hbm>> -> memref<128x128xf32, #tpu.memory_space<hbm>>
      tpu.enqueue_dma source(%arg7 : memref<128x128xf32, #tpu.memory_space<vmem>>) target(%dma_start3A_46 : memref<128x128xf32, #tpu.memory_space<hbm>>) target_semaphore(%run_scoped3A_41 : memref<!tpu.dma_semaphore, #tpu.memory_space<semaphore_mem>>)
      %dma_wait3A = arith.constant 0 : i32
      %dma_wait3A_47 = tpu.memref_slice %arg6[%arg0, %add3A_20, %dma_wait3A] : memref<2x10240x128xf32, #tpu.memory_space<hbm>> -> memref<1x128x128xf32, #tpu.memory_space<hbm>>
      %dma_wait3A_48 = tpu.memref_squeeze %dma_wait3A_47 : memref<1x128x128xf32, #tpu.memory_space<hbm>> -> memref<128x128xf32, #tpu.memory_space<hbm>>
      %dma_wait3A_49 = arith.constant 0 : i32
      %dma_wait3A_50 = tpu.memref_slice %arg6[%arg0, %add3A_20, %dma_wait3A_49] : memref<2x10240x128xf32, #tpu.memory_space<hbm>> -> memref<1x128x128xf32, #tpu.memory_space<hbm>>
      %dma_wait3A_51 = tpu.memref_squeeze %dma_wait3A_50 : memref<1x128x128xf32, #tpu.memory_space<hbm>> -> memref<128x128xf32, #tpu.memory_space<hbm>>
      tpu.wait_dma2 semaphore(%run_scoped3A_41 : memref<!tpu.dma_semaphore, #tpu.memory_space<semaphore_mem>>) src(%arg7 : memref<128x128xf32, #tpu.memory_space<vmem>>) dst(%dma_wait3A_51 : memref<128x128xf32, #tpu.memory_space<hbm>>)
      tpu.yield
    }) : () -> ()
    %run_scoped3A_21 = arith.constant 1 : i32
    "tpu.region"() ({
      %run_scoped3A_41 = tpu.sem_alloc : memref<!tpu.dma_semaphore, #tpu.memory_space<semaphore_mem>>
      %dma_start3A = arith.constant 0 : i32
      %dma_start3A_42 = tpu.memref_slice %arg9[%run_scoped3A_21, %dma_start3A] : memref<8x128xi32, #tpu.memory_space<vmem>> -> memref<1x128xi32, #tpu.memory_space<vmem>>
      %dma_start3A_43 = tpu.memref_squeeze %dma_start3A_42 : memref<1x128xi32, #tpu.memory_space<vmem>> -> memref<128xi32, #tpu.memory_space<vmem>>
      %dma_start3A_44 = arith.constant 0 : i32
      %dma_start3A_45 = arith.constant 0 : i32
      %dma_start3A_46 = tpu.memref_slice %arg10[%dma_start3A_44, %dma_start3A_45] : memref<10240x128xf32, #tpu.memory_space<vmem_shared>> -> memref<10240x128xf32, #tpu.memory_space<vmem_shared>>
      tpu.enqueue_indirect_dma source(%dma_start3A_46 : memref<10240x128xf32, #tpu.memory_space<vmem_shared>>) target(%arg7 : memref<128x128xf32, #tpu.memory_space<vmem>>) offsets(%dma_start3A_43 : memref<128xi32, #tpu.memory_space<vmem>>) semaphore(%run_scoped3A_41 : memref<!tpu.dma_semaphore, #tpu.memory_space<semaphore_mem>>)
      %dma_wait3A = arith.constant 0 : i32
      %dma_wait3A_47 = tpu.memref_slice %arg9[%run_scoped3A_21, %dma_wait3A] : memref<8x128xi32, #tpu.memory_space<vmem>> -> memref<1x128xi32, #tpu.memory_space<vmem>>
      %dma_wait3A_48 = tpu.memref_squeeze %dma_wait3A_47 : memref<1x128xi32, #tpu.memory_space<vmem>> -> memref<128xi32, #tpu.memory_space<vmem>>
      %dma_wait3A_49 = arith.constant 0 : i32
      %dma_wait3A_50 = arith.constant 0 : i32
      %dma_wait3A_51 = tpu.memref_slice %arg10[%dma_wait3A_49, %dma_wait3A_50] : memref<10240x128xf32, #tpu.memory_space<vmem_shared>> -> memref<10240x128xf32, #tpu.memory_space<vmem_shared>>
      tpu.wait_indirect_dma semaphore(%run_scoped3A_41 : memref<!tpu.dma_semaphore, #tpu.memory_space<semaphore_mem>>) src(%dma_wait3A_51 : memref<10240x128xf32, #tpu.memory_space<vmem_shared>>) dst(%arg7 : memref<128x128xf32, #tpu.memory_space<vmem>>)
      tpu.yield
    }) : () -> ()
    %mul3A_22 = arith.constant 640 : i32
    %mul3A_23 = arith.muli %arg1, %mul3A_22 : i32
    %add3A_24 = arith.constant 128 : i32
    %add3A_25 = arith.addi %mul3A_23, %add3A_24 : i32
    "tpu.region"() ({
      %run_scoped3A_41 = tpu.sem_alloc : memref<!tpu.dma_semaphore, #tpu.memory_space<semaphore_mem>>
      %dma_start3A = arith.constant 0 : i32
      %dma_start3A_42 = tpu.memref_slice %arg6[%arg0, %add3A_25, %dma_start3A] : memref<2x10240x128xf32, #tpu.memory_space<hbm>> -> memref<1x128x128xf32, #tpu.memory_space<hbm>>
      %dma_start3A_43 = tpu.memref_squeeze %dma_start3A_42 : memref<1x128x128xf32, #tpu.memory_space<hbm>> -> memref<128x128xf32, #tpu.memory_space<hbm>>
      %dma_start3A_44 = arith.constant 0 : i32
      %dma_start3A_45 = tpu.memref_slice %arg6[%arg0, %add3A_25, %dma_start3A_44] : memref<2x10240x128xf32, #tpu.memory_space<hbm>> -> memref<1x128x128xf32, #tpu.memory_space<hbm>>
      %dma_start3A_46 = tpu.memref_squeeze %dma_start3A_45 : memref<1x128x128xf32, #tpu.memory_space<hbm>> -> memref<128x128xf32, #tpu.memory_space<hbm>>
      tpu.enqueue_dma source(%arg7 : memref<128x128xf32, #tpu.memory_space<vmem>>) target(%dma_start3A_46 : memref<128x128xf32, #tpu.memory_space<hbm>>) target_semaphore(%run_scoped3A_41 : memref<!tpu.dma_semaphore, #tpu.memory_space<semaphore_mem>>)
      %dma_wait3A = arith.constant 0 : i32
      %dma_wait3A_47 = tpu.memref_slice %arg6[%arg0, %add3A_25, %dma_wait3A] : memref<2x10240x128xf32, #tpu.memory_space<hbm>> -> memref<1x128x128xf32, #tpu.memory_space<hbm>>
      %dma_wait3A_48 = tpu.memref_squeeze %dma_wait3A_47 : memref<1x128x128xf32, #tpu.memory_space<hbm>> -> memref<128x128xf32, #tpu.memory_space<hbm>>
      %dma_wait3A_49 = arith.constant 0 : i32
      %dma_wait3A_50 = tpu.memref_slice %arg6[%arg0, %add3A_25, %dma_wait3A_49] : memref<2x10240x128xf32, #tpu.memory_space<hbm>> -> memref<1x128x128xf32, #tpu.memory_space<hbm>>
      %dma_wait3A_51 = tpu.memref_squeeze %dma_wait3A_50 : memref<1x128x128xf32, #tpu.memory_space<hbm>> -> memref<128x128xf32, #tpu.memory_space<hbm>>
      tpu.wait_dma2 semaphore(%run_scoped3A_41 : memref<!tpu.dma_semaphore, #tpu.memory_space<semaphore_mem>>) src(%arg7 : memref<128x128xf32, #tpu.memory_space<vmem>>) dst(%dma_wait3A_51 : memref<128x128xf32, #tpu.memory_space<hbm>>)
      tpu.yield
    }) : () -> ()
    %run_scoped3A_26 = arith.constant 2 : i32
    "tpu.region"() ({
      %run_scoped3A_41 = tpu.sem_alloc : memref<!tpu.dma_semaphore, #tpu.memory_space<semaphore_mem>>
      %dma_start3A = arith.constant 0 : i32
      %dma_start3A_42 = tpu.memref_slice %arg9[%run_scoped3A_26, %dma_start3A] : memref<8x128xi32, #tpu.memory_space<vmem>> -> memref<1x128xi32, #tpu.memory_space<vmem>>
      %dma_start3A_43 = tpu.memref_squeeze %dma_start3A_42 : memref<1x128xi32, #tpu.memory_space<vmem>> -> memref<128xi32, #tpu.memory_space<vmem>>
      %dma_start3A_44 = arith.constant 0 : i32
      %dma_start3A_45 = arith.constant 0 : i32
      %dma_start3A_46 = tpu.memref_slice %arg10[%dma_start3A_44, %dma_start3A_45] : memref<10240x128xf32, #tpu.memory_space<vmem_shared>> -> memref<10240x128xf32, #tpu.memory_space<vmem_shared>>
      tpu.enqueue_indirect_dma source(%dma_start3A_46 : memref<10240x128xf32, #tpu.memory_space<vmem_shared>>) target(%arg7 : memref<128x128xf32, #tpu.memory_space<vmem>>) offsets(%dma_start3A_43 : memref<128xi32, #tpu.memory_space<vmem>>) semaphore(%run_scoped3A_41 : memref<!tpu.dma_semaphore, #tpu.memory_space<semaphore_mem>>)
      %dma_wait3A = arith.constant 0 : i32
      %dma_wait3A_47 = tpu.memref_slice %arg9[%run_scoped3A_26, %dma_wait3A] : memref<8x128xi32, #tpu.memory_space<vmem>> -> memref<1x128xi32, #tpu.memory_space<vmem>>
      %dma_wait3A_48 = tpu.memref_squeeze %dma_wait3A_47 : memref<1x128xi32, #tpu.memory_space<vmem>> -> memref<128xi32, #tpu.memory_space<vmem>>
      %dma_wait3A_49 = arith.constant 0 : i32
      %dma_wait3A_50 = arith.constant 0 : i32
      %dma_wait3A_51 = tpu.memref_slice %arg10[%dma_wait3A_49, %dma_wait3A_50] : memref<10240x128xf32, #tpu.memory_space<vmem_shared>> -> memref<10240x128xf32, #tpu.memory_space<vmem_shared>>
      tpu.wait_indirect_dma semaphore(%run_scoped3A_41 : memref<!tpu.dma_semaphore, #tpu.memory_space<semaphore_mem>>) src(%dma_wait3A_51 : memref<10240x128xf32, #tpu.memory_space<vmem_shared>>) dst(%arg7 : memref<128x128xf32, #tpu.memory_space<vmem>>)
      tpu.yield
    }) : () -> ()
    %mul3A_27 = arith.constant 640 : i32
    %mul3A_28 = arith.muli %arg1, %mul3A_27 : i32
    %add3A_29 = arith.constant 256 : i32
    %add3A_30 = arith.addi %mul3A_28, %add3A_29 : i32
    "tpu.region"() ({
      %run_scoped3A_41 = tpu.sem_alloc : memref<!tpu.dma_semaphore, #tpu.memory_space<semaphore_mem>>
      %dma_start3A = arith.constant 0 : i32
      %dma_start3A_42 = tpu.memref_slice %arg6[%arg0, %add3A_30, %dma_start3A] : memref<2x10240x128xf32, #tpu.memory_space<hbm>> -> memref<1x128x128xf32, #tpu.memory_space<hbm>>
      %dma_start3A_43 = tpu.memref_squeeze %dma_start3A_42 : memref<1x128x128xf32, #tpu.memory_space<hbm>> -> memref<128x128xf32, #tpu.memory_space<hbm>>
      %dma_start3A_44 = arith.constant 0 : i32
      %dma_start3A_45 = tpu.memref_slice %arg6[%arg0, %add3A_30, %dma_start3A_44] : memref<2x10240x128xf32, #tpu.memory_space<hbm>> -> memref<1x128x128xf32, #tpu.memory_space<hbm>>
      %dma_start3A_46 = tpu.memref_squeeze %dma_start3A_45 : memref<1x128x128xf32, #tpu.memory_space<hbm>> -> memref<128x128xf32, #tpu.memory_space<hbm>>
      tpu.enqueue_dma source(%arg7 : memref<128x128xf32, #tpu.memory_space<vmem>>) target(%dma_start3A_46 : memref<128x128xf32, #tpu.memory_space<hbm>>) target_semaphore(%run_scoped3A_41 : memref<!tpu.dma_semaphore, #tpu.memory_space<semaphore_mem>>)
      %dma_wait3A = arith.constant 0 : i32
      %dma_wait3A_47 = tpu.memref_slice %arg6[%arg0, %add3A_30, %dma_wait3A] : memref<2x10240x128xf32, #tpu.memory_space<hbm>> -> memref<1x128x128xf32, #tpu.memory_space<hbm>>
      %dma_wait3A_48 = tpu.memref_squeeze %dma_wait3A_47 : memref<1x128x128xf32, #tpu.memory_space<hbm>> -> memref<128x128xf32, #tpu.memory_space<hbm>>
      %dma_wait3A_49 = arith.constant 0 : i32
      %dma_wait3A_50 = tpu.memref_slice %arg6[%arg0, %add3A_30, %dma_wait3A_49] : memref<2x10240x128xf32, #tpu.memory_space<hbm>> -> memref<1x128x128xf32, #tpu.memory_space<hbm>>
      %dma_wait3A_51 = tpu.memref_squeeze %dma_wait3A_50 : memref<1x128x128xf32, #tpu.memory_space<hbm>> -> memref<128x128xf32, #tpu.memory_space<hbm>>
      tpu.wait_dma2 semaphore(%run_scoped3A_41 : memref<!tpu.dma_semaphore, #tpu.memory_space<semaphore_mem>>) src(%arg7 : memref<128x128xf32, #tpu.memory_space<vmem>>) dst(%dma_wait3A_51 : memref<128x128xf32, #tpu.memory_space<hbm>>)
      tpu.yield
    }) : () -> ()
    %run_scoped3A_31 = arith.constant 3 : i32
    "tpu.region"() ({
      %run_scoped3A_41 = tpu.sem_alloc : memref<!tpu.dma_semaphore, #tpu.memory_space<semaphore_mem>>
      %dma_start3A = arith.constant 0 : i32
      %dma_start3A_42 = tpu.memref_slice %arg9[%run_scoped3A_31, %dma_start3A] : memref<8x128xi32, #tpu.memory_space<vmem>> -> memref<1x128xi32, #tpu.memory_space<vmem>>
      %dma_start3A_43 = tpu.memref_squeeze %dma_start3A_42 : memref<1x128xi32, #tpu.memory_space<vmem>> -> memref<128xi32, #tpu.memory_space<vmem>>
      %dma_start3A_44 = arith.constant 0 : i32
      %dma_start3A_45 = arith.constant 0 : i32
      %dma_start3A_46 = tpu.memref_slice %arg10[%dma_start3A_44, %dma_start3A_45] : memref<10240x128xf32, #tpu.memory_space<vmem_shared>> -> memref<10240x128xf32, #tpu.memory_space<vmem_shared>>
      tpu.enqueue_indirect_dma source(%dma_start3A_46 : memref<10240x128xf32, #tpu.memory_space<vmem_shared>>) target(%arg7 : memref<128x128xf32, #tpu.memory_space<vmem>>) offsets(%dma_start3A_43 : memref<128xi32, #tpu.memory_space<vmem>>) semaphore(%run_scoped3A_41 : memref<!tpu.dma_semaphore, #tpu.memory_space<semaphore_mem>>)
      %dma_wait3A = arith.constant 0 : i32
      %dma_wait3A_47 = tpu.memref_slice %arg9[%run_scoped3A_31, %dma_wait3A] : memref<8x128xi32, #tpu.memory_space<vmem>> -> memref<1x128xi32, #tpu.memory_space<vmem>>
      %dma_wait3A_48 = tpu.memref_squeeze %dma_wait3A_47 : memref<1x128xi32, #tpu.memory_space<vmem>> -> memref<128xi32, #tpu.memory_space<vmem>>
      %dma_wait3A_49 = arith.constant 0 : i32
      %dma_wait3A_50 = arith.constant 0 : i32
      %dma_wait3A_51 = tpu.memref_slice %arg10[%dma_wait3A_49, %dma_wait3A_50] : memref<10240x128xf32, #tpu.memory_space<vmem_shared>> -> memref<10240x128xf32, #tpu.memory_space<vmem_shared>>
      tpu.wait_indirect_dma semaphore(%run_scoped3A_41 : memref<!tpu.dma_semaphore, #tpu.memory_space<semaphore_mem>>) src(%dma_wait3A_51 : memref<10240x128xf32, #tpu.memory_space<vmem_shared>>) dst(%arg7 : memref<128x128xf32, #tpu.memory_space<vmem>>)
      tpu.yield
    }) : () -> ()
    %mul3A_32 = arith.constant 640 : i32
    %mul3A_33 = arith.muli %arg1, %mul3A_32 : i32
    %add3A_34 = arith.constant 384 : i32
    %add3A_35 = arith.addi %mul3A_33, %add3A_34 : i32
    "tpu.region"() ({
      %run_scoped3A_41 = tpu.sem_alloc : memref<!tpu.dma_semaphore, #tpu.memory_space<semaphore_mem>>
      %dma_start3A = arith.constant 0 : i32
      %dma_start3A_42 = tpu.memref_slice %arg6[%arg0, %add3A_35, %dma_start3A] : memref<2x10240x128xf32, #tpu.memory_space<hbm>> -> memref<1x128x128xf32, #tpu.memory_space<hbm>>
      %dma_start3A_43 = tpu.memref_squeeze %dma_start3A_42 : memref<1x128x128xf32, #tpu.memory_space<hbm>> -> memref<128x128xf32, #tpu.memory_space<hbm>>
      %dma_start3A_44 = arith.constant 0 : i32
      %dma_start3A_45 = tpu.memref_slice %arg6[%arg0, %add3A_35, %dma_start3A_44] : memref<2x10240x128xf32, #tpu.memory_space<hbm>> -> memref<1x128x128xf32, #tpu.memory_space<hbm>>
      %dma_start3A_46 = tpu.memref_squeeze %dma_start3A_45 : memref<1x128x128xf32, #tpu.memory_space<hbm>> -> memref<128x128xf32, #tpu.memory_space<hbm>>
      tpu.enqueue_dma source(%arg7 : memref<128x128xf32, #tpu.memory_space<vmem>>) target(%dma_start3A_46 : memref<128x128xf32, #tpu.memory_space<hbm>>) target_semaphore(%run_scoped3A_41 : memref<!tpu.dma_semaphore, #tpu.memory_space<semaphore_mem>>)
      %dma_wait3A = arith.constant 0 : i32
      %dma_wait3A_47 = tpu.memref_slice %arg6[%arg0, %add3A_35, %dma_wait3A] : memref<2x10240x128xf32, #tpu.memory_space<hbm>> -> memref<1x128x128xf32, #tpu.memory_space<hbm>>
      %dma_wait3A_48 = tpu.memref_squeeze %dma_wait3A_47 : memref<1x128x128xf32, #tpu.memory_space<hbm>> -> memref<128x128xf32, #tpu.memory_space<hbm>>
      %dma_wait3A_49 = arith.constant 0 : i32
      %dma_wait3A_50 = tpu.memref_slice %arg6[%arg0, %add3A_35, %dma_wait3A_49] : memref<2x10240x128xf32, #tpu.memory_space<hbm>> -> memref<1x128x128xf32, #tpu.memory_space<hbm>>
      %dma_wait3A_51 = tpu.memref_squeeze %dma_wait3A_50 : memref<1x128x128xf32, #tpu.memory_space<hbm>> -> memref<128x128xf32, #tpu.memory_space<hbm>>
      tpu.wait_dma2 semaphore(%run_scoped3A_41 : memref<!tpu.dma_semaphore, #tpu.memory_space<semaphore_mem>>) src(%arg7 : memref<128x128xf32, #tpu.memory_space<vmem>>) dst(%dma_wait3A_51 : memref<128x128xf32, #tpu.memory_space<hbm>>)
      tpu.yield
    }) : () -> ()
    %run_scoped3A_36 = arith.constant 4 : i32
    "tpu.region"() ({
      %run_scoped3A_41 = tpu.sem_alloc : memref<!tpu.dma_semaphore, #tpu.memory_space<semaphore_mem>>
      %dma_start3A = arith.constant 0 : i32
      %dma_start3A_42 = tpu.memref_slice %arg9[%run_scoped3A_36, %dma_start3A] : memref<8x128xi32, #tpu.memory_space<vmem>> -> memref<1x128xi32, #tpu.memory_space<vmem>>
      %dma_start3A_43 = tpu.memref_squeeze %dma_start3A_42 : memref<1x128xi32, #tpu.memory_space<vmem>> -> memref<128xi32, #tpu.memory_space<vmem>>
      %dma_start3A_44 = arith.constant 0 : i32
      %dma_start3A_45 = arith.constant 0 : i32
      %dma_start3A_46 = tpu.memref_slice %arg10[%dma_start3A_44, %dma_start3A_45] : memref<10240x128xf32, #tpu.memory_space<vmem_shared>> -> memref<10240x128xf32, #tpu.memory_space<vmem_shared>>
      tpu.enqueue_indirect_dma source(%dma_start3A_46 : memref<10240x128xf32, #tpu.memory_space<vmem_shared>>) target(%arg7 : memref<128x128xf32, #tpu.memory_space<vmem>>) offsets(%dma_start3A_43 : memref<128xi32, #tpu.memory_space<vmem>>) semaphore(%run_scoped3A_41 : memref<!tpu.dma_semaphore, #tpu.memory_space<semaphore_mem>>)
      %dma_wait3A = arith.constant 0 : i32
      %dma_wait3A_47 = tpu.memref_slice %arg9[%run_scoped3A_36, %dma_wait3A] : memref<8x128xi32, #tpu.memory_space<vmem>> -> memref<1x128xi32, #tpu.memory_space<vmem>>
      %dma_wait3A_48 = tpu.memref_squeeze %dma_wait3A_47 : memref<1x128xi32, #tpu.memory_space<vmem>> -> memref<128xi32, #tpu.memory_space<vmem>>
      %dma_wait3A_49 = arith.constant 0 : i32
      %dma_wait3A_50 = arith.constant 0 : i32
      %dma_wait3A_51 = tpu.memref_slice %arg10[%dma_wait3A_49, %dma_wait3A_50] : memref<10240x128xf32, #tpu.memory_space<vmem_shared>> -> memref<10240x128xf32, #tpu.memory_space<vmem_shared>>
      tpu.wait_indirect_dma semaphore(%run_scoped3A_41 : memref<!tpu.dma_semaphore, #tpu.memory_space<semaphore_mem>>) src(%dma_wait3A_51 : memref<10240x128xf32, #tpu.memory_space<vmem_shared>>) dst(%arg7 : memref<128x128xf32, #tpu.memory_space<vmem>>)
      tpu.yield
    }) : () -> ()
    %mul3A_37 = arith.constant 640 : i32
    %mul3A_38 = arith.muli %arg1, %mul3A_37 : i32
    %add3A_39 = arith.constant 512 : i32
    %add3A_40 = arith.addi %mul3A_38, %add3A_39 : i32
    "tpu.region"() ({
      %run_scoped3A_41 = tpu.sem_alloc : memref<!tpu.dma_semaphore, #tpu.memory_space<semaphore_mem>>
      %dma_start3A = arith.constant 0 : i32
      %dma_start3A_42 = tpu.memref_slice %arg6[%arg0, %add3A_40, %dma_start3A] : memref<2x10240x128xf32, #tpu.memory_space<hbm>> -> memref<1x128x128xf32, #tpu.memory_space<hbm>>
      %dma_start3A_43 = tpu.memref_squeeze %dma_start3A_42 : memref<1x128x128xf32, #tpu.memory_space<hbm>> -> memref<128x128xf32, #tpu.memory_space<hbm>>
      %dma_start3A_44 = arith.constant 0 : i32
      %dma_start3A_45 = tpu.memref_slice %arg6[%arg0, %add3A_40, %dma_start3A_44] : memref<2x10240x128xf32, #tpu.memory_space<hbm>> -> memref<1x128x128xf32, #tpu.memory_space<hbm>>
      %dma_start3A_46 = tpu.memref_squeeze %dma_start3A_45 : memref<1x128x128xf32, #tpu.memory_space<hbm>> -> memref<128x128xf32, #tpu.memory_space<hbm>>
      tpu.enqueue_dma source(%arg7 : memref<128x128xf32, #tpu.memory_space<vmem>>) target(%dma_start3A_46 : memref<128x128xf32, #tpu.memory_space<hbm>>) target_semaphore(%run_scoped3A_41 : memref<!tpu.dma_semaphore, #tpu.memory_space<semaphore_mem>>)
      %dma_wait3A = arith.constant 0 : i32
      %dma_wait3A_47 = tpu.memref_slice %arg6[%arg0, %add3A_40, %dma_wait3A] : memref<2x10240x128xf32, #tpu.memory_space<hbm>> -> memref<1x128x128xf32, #tpu.memory_space<hbm>>
      %dma_wait3A_48 = tpu.memref_squeeze %dma_wait3A_47 : memref<1x128x128xf32, #tpu.memory_space<hbm>> -> memref<128x128xf32, #tpu.memory_space<hbm>>
      %dma_wait3A_49 = arith.constant 0 : i32
      %dma_wait3A_50 = tpu.memref_slice %arg6[%arg0, %add3A_40, %dma_wait3A_49] : memref<2x10240x128xf32, #tpu.memory_space<hbm>> -> memref<1x128x128xf32, #tpu.memory_space<hbm>>
      %dma_wait3A_51 = tpu.memref_squeeze %dma_wait3A_50 : memref<1x128x128xf32, #tpu.memory_space<hbm>> -> memref<128x128xf32, #tpu.memory_space<hbm>>
      tpu.wait_dma2 semaphore(%run_scoped3A_41 : memref<!tpu.dma_semaphore, #tpu.memory_space<semaphore_mem>>) src(%arg7 : memref<128x128xf32, #tpu.memory_space<vmem>>) dst(%dma_wait3A_51 : memref<128x128xf32, #tpu.memory_space<hbm>>)
      tpu.yield
    }) : () -> ()
    return
  }
}

module attributes {stable_mosaic.version = 14 : i64} {
  func.func @_producer_body(%arg0: i32, %arg1: memref<2560x128xf32, #tpu.memory_space<vmem>>, %arg2: memref<2560x1xf32, #tpu.memory_space<vmem>>, %arg3: memref<128x128xbf16, #tpu.memory_space<vmem>>, %arg4: memref<128x128xbf16, #tpu.memory_space<vmem>>, %arg5: memref<2560x128xf32, #tpu.memory_space<vmem>>) attributes {dimension_semantics = [#tpu.dimension_semantics<arbitrary>], iteration_bounds = array<i64: 128>, scalar_prefetch = 0 : i64, scratch_operands = 0 : i64, tpu.core_type = #tpu.core_type<tc>, window_params = [{transform_indices = @transform_0, window_bounds = array<i64: 2560, 128>}, {transform_indices = @transform_1, window_bounds = array<i64: 2560, 1>}, {pipeline_mode = #tpu.pipeline_mode<synchronous>, transform_indices = @transform_2, window_bounds = array<i64: 128, 128>}, {pipeline_mode = #tpu.pipeline_mode<synchronous>, transform_indices = @transform_3, window_bounds = array<i64: 128, 128>}, {transform_indices = @transform_4, window_bounds = array<i64: 2560, 128>}]} {
    %lt3A = arith.constant 125 : i32
    %lt3A_0 = arith.cmpi slt, %arg0, %lt3A : i32
    %convert_element_type3A = arith.extui %lt3A_0 : i1 to i32
    %cond3A = arith.constant 0 : i32
    %cond3A_1 = arith.cmpi ne, %convert_element_type3A, %cond3A : i32
    scf.if %cond3A_1 {
      %get3A = arith.constant 0 : index
      %get3A_6 = arith.constant 0 : index
      %get3A_7 = vector.load %arg1[%get3A, %get3A_6] : memref<2560x128xf32, #tpu.memory_space<vmem>>, vector<2560x128xf32>
      %convert_element_type3A_8 = arith.truncf %get3A_7 : vector<2560x128xf32> to vector<2560x128xbf16>
      %get3A_9 = arith.constant 0 : index
      %get3A_10 = arith.constant 0 : index
      %get3A_11 = vector.load %arg3[%get3A_9, %get3A_10] : memref<128x128xbf16, #tpu.memory_space<vmem>>, vector<128x128xbf16>
      %dot_general3A = arith.constant dense<0.000000e+00> : vector<2560x128xf32>
      %dot_general3A_12 = tpu.matmul %convert_element_type3A_8, %get3A_11, %dot_general3A {dimension_numbers = #tpu.dot_dimension_numbers<[1], [0], [0], [1], [0, 0, 1, 1], [], []>, transpose_lhs_hint = false} : vector<2560x128xbf16>, vector<128x128xbf16>, vector<2560x128xf32> -> vector<2560x128xf32>
      %max3A = arith.constant 0.000000e+00 : f32
      %max3A_13 = vector.broadcast %max3A : f32 to vector<2560x128xf32>
      %max3A_14 = arith.maximumf %dot_general3A_12, %max3A_13 : vector<2560x128xf32>
      %convert_element_type3A_15 = arith.truncf %max3A_14 : vector<2560x128xf32> to vector<2560x128xbf16>
      %get3A_16 = arith.constant 0 : index
      %get3A_17 = arith.constant 0 : index
      %get3A_18 = vector.load %arg4[%get3A_16, %get3A_17] : memref<128x128xbf16, #tpu.memory_space<vmem>>, vector<128x128xbf16>
      %dot_general3A_19 = arith.constant dense<0.000000e+00> : vector<2560x128xf32>
      %dot_general3A_20 = tpu.matmul %convert_element_type3A_15, %get3A_18, %dot_general3A_19 {dimension_numbers = #tpu.dot_dimension_numbers<[1], [0], [0], [1], [0, 0, 1, 1], [], []>, transpose_lhs_hint = false} : vector<2560x128xbf16>, vector<128x128xbf16>, vector<2560x128xf32> -> vector<2560x128xf32>
      %get3A_21 = arith.constant 0 : index
      %get3A_22 = arith.constant 0 : index
      %get3A_23 = vector.load %arg2[%get3A_21, %get3A_22] : memref<2560x1xf32, #tpu.memory_space<vmem>>, vector<2560x1xf32>
      %mul3A = vector.broadcast %get3A_23 : vector<2560x1xf32> to vector<2560x128xf32>
      %mul3A_24 = arith.mulf %dot_general3A_20, %mul3A : vector<2560x128xf32>
      %swap3A = arith.constant 0 : index
      %swap3A_25 = arith.constant 0 : index
      %swap3A_26 = vector.load %arg5[%swap3A, %swap3A_25] : memref<2560x128xf32, #tpu.memory_space<vmem>>, vector<2560x128xf32>
      tpu.vector_store %arg5[%swap3A, %swap3A_25], %mul3A_24 {strides = array<i32>} : memref<2560x128xf32, #tpu.memory_space<vmem>>, vector<2560x128xf32>,
    } else {
    }
    %ge3A = arith.constant 125 : i32
    %ge3A_2 = arith.cmpi sge, %arg0, %ge3A : i32
    %convert_element_type3A_3 = arith.extui %ge3A_2 : i1 to i32
    %cond3A_4 = arith.constant 0 : i32
    %cond3A_5 = arith.cmpi ne, %convert_element_type3A_3, %cond3A_4 : i32
    scf.if %cond3A_5 {
      %broadcast_in_dim3A = arith.constant 0.000000e+00 : f32
      %broadcast_in_dim3A_6 = vector.broadcast %broadcast_in_dim3A : f32 to vector<2560x128xf32>
      %swap3A = arith.constant 0 : index
      %swap3A_7 = arith.constant 0 : index
      %swap3A_8 = vector.load %arg5[%swap3A, %swap3A_7] : memref<2560x128xf32, #tpu.memory_space<vmem>>, vector<2560x128xf32>
      tpu.vector_store %arg5[%swap3A, %swap3A_7], %broadcast_in_dim3A_6 {strides = array<i32>} : memref<2560x128xf32, #tpu.memory_space<vmem>>, vector<2560x128xf32>,
    } else {
    }
    return
  }
  func.func @transform_0(%arg0: i32) -> (i32, i32) {
    %min3A = arith.constant 124 : i32
    %min3A_0 = arith.minsi %arg0, %min3A : i32
    %c0_i32 = arith.constant 0 : i32
    %c0_i32_1 = arith.constant 0 : i32
    return %min3A_0, %c0_i32 : i32, i32
  }
  func.func @transform_1(%arg0: i32) -> (i32, i32) {
    %min3A = arith.constant 124 : i32
    %min3A_0 = arith.minsi %arg0, %min3A : i32
    %c0_i32 = arith.constant 0 : i32
    %c0_i32_1 = arith.constant 0 : i32
    return %min3A_0, %c0_i32 : i32, i32
  }
  func.func @transform_2(%arg0: i32) -> (i32, i32) {
    %c0_i32 = arith.constant 0 : i32
    %c0_i32_0 = arith.constant 0 : i32
    %c0_i32_1 = arith.constant 0 : i32
    return %c0_i32, %c0_i32_0 : i32, i32
  }
  func.func @transform_3(%arg0: i32) -> (i32, i32) {
    %c0_i32 = arith.constant 0 : i32
    %c0_i32_0 = arith.constant 0 : i32
    %c0_i32_1 = arith.constant 0 : i32
    return %c0_i32, %c0_i32_0 : i32, i32
  }
  func.func @transform_4(%arg0: i32) -> (i32, i32) {
    %c0_i32 = arith.constant 0 : i32
    %c0_i32_0 = arith.constant 0 : i32
    return %arg0, %c0_i32 : i32, i32
  }
}

module attributes {stable_mosaic.version = 14 : i64} {
  func.func @_combine_body(%arg0: i32, %arg1: memref<2x10240x128xf32, #tpu.memory_space<vmem>>, %arg2: memref<10000x64xf32, #tpu.memory_space<vmem>>) attributes {dimension_semantics = [#tpu.dimension_semantics<arbitrary>], iteration_bounds = array<i64: 1>, scalar_prefetch = 0 : i64, scratch_operands = 0 : i64, tpu.core_type = #tpu.core_type<tc>, window_params = [{pipeline_mode = #tpu.pipeline_mode<synchronous>, transform_indices = @transform_0, window_bounds = array<i64: 2, 10240, 128>}, {pipeline_mode = #tpu.pipeline_mode<synchronous>, transform_indices = @transform_1, window_bounds = array<i64: 10000, 64>}]} {
    %get3A = arith.constant 0 : index
    %get3A_0 = arith.constant 0 : index
    %get3A_1 = arith.constant 0 : index
    %get3A_2 = vector.load %arg1[%get3A, %get3A_0, %get3A_1] : memref<2x10240x128xf32, #tpu.memory_space<vmem>>, vector<1x10000x64xf32>
    %get3A_3 = vector.shape_cast %get3A_2 : vector<1x10000x64xf32> to vector<10000x64xf32>
    %get3A_4 = arith.constant 1 : index
    %get3A_5 = arith.constant 0 : index
    %get3A_6 = arith.constant 0 : index
    %get3A_7 = vector.load %arg1[%get3A_4, %get3A_5, %get3A_6] : memref<2x10240x128xf32, #tpu.memory_space<vmem>>, vector<1x10000x64xf32>
    %get3A_8 = vector.shape_cast %get3A_7 : vector<1x10000x64xf32> to vector<10000x64xf32>
    %add3A = arith.addf %get3A_3, %get3A_8 : vector<10000x64xf32>
    %swap3A = arith.constant 0 : index
    %swap3A_9 = arith.constant 0 : index
    %swap3A_10 = vector.load %arg2[%swap3A, %swap3A_9] : memref<10000x64xf32, #tpu.memory_space<vmem>>, vector<10000x64xf32>
    tpu.vector_store %arg2[%swap3A, %swap3A_9], %add3A {strides = array<i32>} : memref<10000x64xf32, #tpu.memory_space<vmem>>, vector<10000x64xf32>,
    return
  }
  func.func @transform_0(%arg0: i32) -> (i32, i32, i32) {
    %c0_i32 = arith.constant 0 : i32
    %c0_i32_0 = arith.constant 0 : i32
    %c0_i32_1 = arith.constant 0 : i32
    %c0_i32_2 = arith.constant 0 : i32
    return %c0_i32, %c0_i32_0, %c0_i32_1 : i32, i32, i32
  }
  func.func @transform_1(%arg0: i32) -> (i32, i32) {
    %c0_i32 = arith.constant 0 : i32
    %c0_i32_0 = arith.constant 0 : i32
    %c0_i32_1 = arith.constant 0 : i32
    return %c0_i32, %c0_i32_0 : i32, i32
  }
}

</mosaic_0001>

<sc_bundles>
// kernel: kernel.5.cloned.1.call-start
scs
__scs_entry_jumppad:
0x0: {  	(pc) =	sbr.rel $0x88, $3  }
0x1: {  	(tag) =	ssettag $0x0;
	lr =	simm.s32 $0x1  }
0x2: {  	[smem:$0x3F9C] =	sst lr;
	_ =	strace $0xD0000000  }
0x3: {  	_ = 	snop  }
0x4: {  	_ = 	snop  }
0x5: {  	_ = 	snop  }
0x6: {  	_ = 	snop  }
0x7: {  	_ = 	snop  }
__scs_overlays_trampoline_lowered:
0x8: {  	[smem:$0x3FAB] =	sst s0  }
0x9: {  	[smem:$0x3FAC] =	sst s1  }
0xa: {  	[smem:$0x3FAD] =	sst s2  }
0xb: {  	[smem:$0x3FAE] =	sst s3  }
0xc: {  	[smem:$0x3FAF] =	sst s4  }
0xd: {  	[smem:$0x3FB0] =	sst s5  }
0xe: {  	[smem:$0x3FB1] =	sst s6  }
0xf: {  	[smem:$0x3FB2] =	sst s7  }
0x10: {  	[smem:$0x3FB3] =	sst s8  }
0x11: {  	[smem:$0x3FB4] =	sst s9;
	s0 =	simm.s32 @!p0 $0x0  }
0x12: {  	s1 =	sld [smem:$0x3F9A];
	s0 =	simm.s32 @p0 $0x1  }
0x13: {  	[smem:$0x3FB5] =	sst s0;
	s0 =	simm.s32 @!p1 $0x0  }
0x14: {  	s2 =	sld [smem:$0x3F99];
	s0 =	simm.s32 @p1 $0x1  }
0x15: {  	[smem:$0x3FB6] =	sst s0;
	s0 =	simm.s32 @!p2 $0x0  }
0x16: {  	s3 =	sld [smem:$0x3FDB];
	s0 =	simm.s32 @p2 $0x1  }
0x17: {  	s4 =	simm.s32 $0x1BF5;
	[smem:$0x3FB8] =	sst s0  }
0x18: {  	s0 =	sld [smem:$0x3F9B];
	_ =	swait.ge [sflag:s4], $0x0  }
0x19: {  	s7 =	sld [smem:$0x3F9C]  }
0x1a: {  	s8 =	sadd.s32 $0xFFFFE003, lr  }
0x1b: {  	s9 =	sadd.s32 $0xFFFFFEF7, lr;
	s5 =	simm.s32 $0xFFFFFFFF;
	p2 =	slt.u32 s8, $0xFFFFF086  }
0x1c: {  	p1 =	slt.u32 s9, $0xF7A;
	s5 =	simm.s32 @!p2 $0x0  }
0x1d: {  	s5 =	simm.s32 @p1 $0x1;
	p0 =	seq.s32 s7, s2  }
0x1e: {  	s7 =	smul.u32 @!p0 $0xF7A, s2;
	p2 =	seq.s32 @!p0 s5, $0x0  }
0x1f: {  	s9 =	smul.u32 $0xF7A, s1;
	s8 =	simm.s32 @!p0 $0x1BF5;
	p2 =	por !p2, p0  }
0x20: {  	[sflag:s8] =	ssyncset.s32 @!p0 $0xFFFFF086;
	s6 =	sadd.s32 @!p0 s3, s7;
	s7 =	simm.s32 @!p0 $0x108  }
0x21: {  	s3 =	sadd.s32 s3, s9;
	s6 =	sadd.s32 @!p0 $0x88, s6;
	s7 =	simm.s32 @p2 $0x1082  }
0x22: {  	[simem:s7], [sflag:s8] =	dma.local @!p0 [hbm:s6], $0xF7A  }
0x23: {  	s9 =	sor.u32 $0xD0000000, s2;
	s6 =	simm.s32 $0x108;
	_ =	swait.ge @!p0 [sflag:s8], $0x0  }
0x24: {  	s3 =	sadd.s32 $0x88, s3;
	s6 =	simm.s32 @!p1 $0x1082;
	[sflag:s4] =	ssyncset.s32 $0xFFFFF086  }
0x25: {  	[simem:s6], [sflag:s4] =	dma.local [hbm:s3], $0xF7A  }
0x26: {  	[smem:$0x3F9C] =	sst s1;
	(tag) =	ssettag s2;
	_ =	strace s9  }
0x27: {  	s1 =	sld [smem:$0x3FAC]  }
0x28: {  	s2 =	sld [smem:$0x3FAD]  }
0x29: {  	s4 =	sld [smem:$0x3FAF]  }
0x2a: {  	p0 =	seq.s32 s5, $0x0;
	s5 =	sld [smem:$0x3FB0]  }
0x2b: {  	s6 =	sld [smem:$0x3FB1]  }
0x2c: {  	s7 =	sld [smem:$0x3FB2]  }
0x2d: {  	s3 =	simm.s32 $0x108;
	s8 =	sld [smem:$0x3FB3]  }
0x2e: {  	s3 =	simm.s32 @!p0 $0x1082;
	s9 =	sld [smem:$0x3FB4]  }
0x2f: {  	lr =	sadd.s32 s0, s3;
	s0 =	sld [smem:$0x3FAB]  }
0x30: {  	s3 =	sld [smem:$0x3FAE]  }
0x31: {  	[smem:$0x3FB7] =	sst s10  }
0x32: {  	s10 =	sld [smem:$0x3FB5];
	_ =	sdelay $0x3  }
0x33: {  	p0 =	seq.s32 s10, $0x1;
	s10 =	sld [smem:$0x3FB7];
	_ =	sdelay $0x3  }
0x34: {  	[smem:$0x3FB7] =	sst s10  }
0x35: {  	s10 =	sld [smem:$0x3FB6];
	_ =	sdelay $0x3  }
0x36: {  	p1 =	seq.s32 s10, $0x1;
	s10 =	sld [smem:$0x3FB7];
	_ =	sdelay $0x3  }
0x37: {  	[smem:$0x3FB7] =	sst s10  }
0x38: {  	s10 =	sld [smem:$0x3FB8]  }
0x39: {  	_ = 	snop;
	(pc) =	sbr.ind lr, $3  }
0x3a: {  	_ = 	snop  }
0x3b: {  	_ = 	snop  }
0x3c: {  	p2 =	seq.s32 s10, $0x1;
	s10 =	sld [smem:$0x3FB7]  }
0x3d: {  	_ =	shalt  }
0x3e: {  	_ =	shalt  }
0x3f: {  	_ =	shalt  }
0x40: {  	_ =	shalt  }
0x41: {  	_ =	shalt  }
0x42: {  	_ =	shalt  }
0x43: {  	_ =	shalt  }
0x44: {  	_ =	shalt  }
0x45: {  	_ =	shalt  }
0x46: {  	_ =	shalt  }
0x47: {  	_ =	shalt  }
0x48: {  	_ =	shalt  }
0x49: {  	_ =	shalt  }
0x4a: {  	_ =	shalt  }
0x4b: {  	_ =	shalt  }
0x4c: {  	_ =	shalt  }
0x4d: {  	_ =	shalt  }
0x4e: {  	_ =	shalt  }
0x4f: {  	_ =	shalt  }
0x50: {  	_ =	shalt  }
0x51: {  	_ =	shalt  }
0x52: {  	_ =	shalt  }
0x53: {  	_ =	shalt  }
0x54: {  	_ =	shalt  }
0x55: {  	_ =	shalt  }
0x56: {  	_ =	shalt  }
0x57: {  	_ =	shalt  }
0x58: {  	_ =	shalt  }
0x59: {  	_ =	shalt  }
0x5a: {  	_ =	shalt  }
0x5b: {  	_ =	shalt  }
0x5c: {  	_ =	shalt  }
0x5d: {  	_ =	shalt  }
0x5e: {  	_ =	shalt  }
0x5f: {  	_ =	shalt  }
0x60: {  	_ =	shalt  }
0x61: {  	_ =	shalt  }
0x62: {  	_ =	shalt  }
0x63: {  	_ =	shalt  }
0x64: {  	_ =	shalt  }
0x65: {  	_ =	shalt  }
0x66: {  	_ =	shalt  }
0x67: {  	_ =	shalt  }
0x68: {  	_ =	shalt  }
0x69: {  	_ =	shalt  }
0x6a: {  	_ =	shalt  }
0x6b: {  	_ =	shalt  }
0x6c: {  	_ =	shalt  }
0x6d: {  	_ =	shalt  }
0x6e: {  	_ =	shalt  }
0x6f: {  	_ =	shalt  }
0x70: {  	_ =	shalt  }
0x71: {  	_ =	shalt  }
0x72: {  	_ =	shalt  }
0x73: {  	_ =	shalt  }
0x74: {  	_ =	shalt  }
0x75: {  	_ =	shalt  }
0x76: {  	_ =	shalt  }
0x77: {  	_ =	shalt  }
0x78: {  	_ =	shalt  }
0x79: {  	_ =	shalt  }
0x7a: {  	_ =	shalt  }
0x7b: {  	_ =	shalt  }
0x7c: {  	_ =	shalt  }
0x7d: {  	_ =	shalt  }
0x7e: {  	_ =	shalt  }
0x7f: {  	_ =	shalt  }
0x80: {  	_ =	shalt  }
0x81: {  	_ =	shalt  }
0x82: {  	_ =	shalt  }
0x83: {  	_ =	shalt  }
0x84: {  	_ =	shalt  }
0x85: {  	_ =	shalt  }
0x86: {  	_ =	shalt  }
0x87: {  	_ =	shalt  }
.Lfunc_end0:
.L_simem_size_0:
called_computation_lowered:
.L_overlay_start_0:
0x88: {  	s2 =	sld [smem:$0x3FD9]  }
0x89: {  	s3 =	sld [smem:$0x3FFE];
	_ =	sdelay $0x1  }
0x8a: {  	s1 =	srdreg.scid  }
0x8b: {  	s0 =	sand.u32 $0x1, s1  }
0x8c: {  	s17 =	sshll.u32 s0, $0xA;
	s2 =	sadd.s32 s3, s2  }
0x8d: {  	s2 =	sadd.s32 s2, s17  }
0x8e: {  	[smem:$0x3FC3] =	sst s2  }
0x8f: {  	_ = 	snop  }
0x90: {  	s2 =	sld [smem:$0x3FD0];
	(tm) =	ssettm $0x1  }
0x91: {  	s18 =	sld [smem:$0x3FFB];
	_ =	sdelay $0x3  }
0x92: {  	_ =	strace s18  }
0x93: {  	s3 =	sld [smem:$0x3FFC];
	_ =	sdelay $0x3  }
0x94: {  	_ =	strace s3  }
0x95: {  	s3 =	sld [smem:$0x3FFD];
	_ =	sdelay $0x3  }
0x96: {  	_ =	strace s3  }
0x97: {  	_ =	strace $0x8FFFFFFF  }
0x98: {  	s19 =	sld [smem:$0x3FDB];
	_ =	sdelay $0x1  }
0x99: {  	s4 =	simm.s32 $_scs_section_size  }
0x9a: {  	s5 =	simm.s32 $_size__tile_overlayer_lowered;
	s6 =	simm.s32 $_tile_overlayer_lowered  }
0x9b: {  	s22 =	simm.s32 $0x1BFF;
	s21 =	sshll.u32 s6, $0x1;
	s3 =	sadd.s32 s4, s19  }
0x9c: {  	s7 =	simm.s32 $0x0;
	s20 =	sshll.u32 s5, $0x1;
	s5 =	sadd.s32 s21, s3  }
0x9d: {  	[timem:s7], [sflag:s22] =	dma.local [hbm:s5], s20  }
0x9e: {  	_ =	swait.ge [sflag:s22], s20  }
0x9f: {  	s4 =	ssub.s32 $0x0, s20;
	[sflag:s22] =	ssyncset.done $0x0  }
0xa0: {  	[sflag:s22] =	ssyncadd.s32 s4;
	_ =	sdelay $0x1  }
0xa1: {  	s23 =	simm.s32 $0x1B8B  }
0xa2: {  	_ =	swait.ge [sflag:s23], $0x1  }
0xa3: {  	[sflag:s23] =	ssyncset.done $0x0  }
0xa4: {  	s25 =	simm.s32 $0x1B8E;
	s24 =	sld [smem:$0x3FFE];
	[sflag:s23] =	ssyncadd.s32 $0xFFFFFFFF  }
0xa5: {  	s26 =	simm.s32 $execute0_lowered;
	[smem:$0x3FD2] =	sst s25  }
0xa6: {  	s5 =	sshll.u32 s26, $0x1;
	_ =	strace $0x80000046;
	[dreg:$0x1] =	wrdreg $0xFFFFFFFF  }
0xa7: {  	s28 =	simm.s32 $_size_execute0_lowered;
	s3 =	sadd.s32 s3, s5;
	[dreg:$0x0] =	wrdreg $0x0  }
0xa8: {  	s5 =	sshll.u32 s28, $0x1;
	[dreg:$0x2] =	wrdreg s3  }
0xa9: {  	[dreg:$0x3] =	wrdreg s5  }
0xaa: {  	[dreg:$0x4] =	wrdreg $0xC0  }
0xab: {  	_ =	task [dreg:s7], $0x5FFFF  }
0xac: {  	[dreg:$0x1] =	wrdreg $0xFFFFFFFF  }
0xad: {  	[dreg:$0x0] =	wrdreg $0x60  }
0xae: {  	[dreg:$0x2] =	wrdreg s24  }
0xaf: {  	[dreg:$0x3] =	wrdreg s2  }
0xb0: {  	[dreg:$0x4] =	wrdreg $0x48000  }
0xb1: {  	[dreg:$0x5] =	wrdreg $0x9  }
0xb2: {  	_ =	task.clear_ibuf [dreg:s7], $0x6FFFF;
	_ =	strace $0x90000046  }
0xb3: {  	s29 =	simm.s32 $0x9;
	_ =	strace $0x80000048  }
0xb4: {  	_ =	swait.ge [sflag:s29], $0x1  }
0xb5: {  	[sflag:s29] =	ssyncadd.s32 $0xFFFFFFFF  }
0xb6: {  	_ =	strace $0x90000048  }
0xb7: {  	_ =	sfence  }
0xb8: {  	s30 =	sld [smem:$0x0];
	_ =	sdelay $0x2  }
0xb9: {  	s31 =	sshll.u32 s1, $0xD;
	s1 =	sshrl.u32 s1, $0x2  }
0xba: {  	s3 =	sand.u32 $0x4000, s31;
	s1 =	sadd.s32 s1, s30  }
0xbb: {  	s0 =	sor.u32 s3, s0;
	s1 =	sshll.u32 s1, $0x11  }
0xbc: {  	s0 =	sor.u32 s1, s0  }
0xbd: {  	s0 =	sadd.s32 $0x8F2B, s0  }
0xbe: {  	[sflag:s0] =	ssyncadd.remote.s32 $0x1  }
0xbf: {  	_ =	sfence.sel $0xFFFF  }
0xc0: {  	[dreg:$0x0] =	wrdreg $0xFFFFFFFF;
	(pc) =	sbr.abs _section_cstart, $3  }
0xc1: {  	[dreg:$0x1] =	wrdreg $0xFFFFFFFF  }
0xc2: {  	_ =	task.clear_ibuf [dreg:s7], $0x2FFFF;
	_ =	strace $0x9FFFFFFF  }
0xc3: {  	(tm) =	ssettm $0x7FFFFFFF  }
tec
execute0_lowered:
.L_overlay_start_1:
0x0: {  	(tag) =	ssettag $0x1  }
0x1: {  	s0 =	rddreg [dreg:$0x0]  }
0x2: {  	s2 =	rddreg [dreg:$0x1];
	s3 =	srdreg.scid  }
0x3: {  	s1 =	rddreg [dreg:$0x2];
	s10 =	stileid.u32;
	s18 =	simm.s32 $0x4040  }
0x4: {  	s19 =	simm.s32 $0x4080;
	s20 =	simm.s32 $0x40C0;
	s21 =	simm.s32 $0x4100  }
0x5: {  	s22 =	simm.s32 $0x4140;
	s23 =	simm.s32 $0x4180;
	s24 =	simm.s32 $0x41C0  }
0x6: {  	s25 =	simm.s32 $0x4200;
	s26 =	simm.s32 $0x4240;
	s28 =	simm.s32 $0x4300  }
0x7: {  	s29 =	simm.s32 $0x4340;
	s4 =	sand.u32 $0x1, s3;
	s3 =	simm.s32 $0x0  }
0x8: {  	s30 =	simm.s32 $0x4380;
	s9 =	sadd.s32 $0xC00, s0;
	[smem:$0x7FF] =	sst s3  }
0x9: {  	s8 =	smul.u32 $0x14000, s10;
	_ =	strace $0x80000047;
	[dreg:$0xe] =	wrdreg s9  }
0xa: {  	s31 =	simm.s32 $0x43C0;
	s11 =	smul.u32 $0x28000, s10;
	[dreg:$0x5] =	wrdreg s18  }
0xb: {  	s7 =	sshll.u32 s10, $0x7;
	s5 =	smul.u32 $0x280000, s4;
	[dreg:$0x6] =	wrdreg s19  }
0xc: {  	s6 =	smul.u32 $0x140000, s4;
	s7 =	sadd.s32 s7, s0;
	[dreg:$0x7] =	wrdreg s20  }
0xd: {  	s13 =	ssub.s32 $0x2, s4;
	s4 =	smul.u32 $0x28000, s4;
	[dreg:$0x8] =	wrdreg s21  }
0xe: {  	s14 =	sshrl.u32 s13, $0x1;
	s15 =	sadd.s32 $0x4E2C00, s7;
	[dreg:$0x9] =	wrdreg s22  }
0xf: {  	s18 =	simm.s32 $0x4580;
	s19 =	simm.s32 $0x4600;
	[dreg:$0xa] =	wrdreg s23  }
0x10: {  	s20 =	simm.s32 $0x4000;
	s21 =	simm.s32 $0x2000;
	[dreg:$0xb] =	wrdreg s24  }
0x11: {  	s22 =	simm.s32 $0x1;
	s23 =	simm.s32 $0x40;
	[dreg:$0xc] =	wrdreg s25  }
0x12: {  	s24 =	simm.s32 $0x2;
	[dreg:$0xd] =	wrdreg s26;
	s25 =	simm.s32 $0x4280  }
0x13: {  	s26 =	simm.s32 $0x42C0;
	s5 =	sadd.s32 s5, s0;
	s6 =	sadd.s32 s8, s6  }
0x14: {  	s12 =	ssub.s32 s13, s14;
	[dreg:$0xf] =	wrdreg s15;
	s13 =	smul.u32 $0x2800, s10  }
0x15: {  	s14 =	simm.s32 $0x3;
	s15 =	simm.s32 $0x80;
	s6 =	sshrl.u32 s6, $0x3  }
0x16: {  	s17 =	sadd.s32 s11, s5;
	s11 =	smax.u32 s12, $0x1;
	s0 =	sadd.s32 s6, s0  }
0x17: {  	s4 =	sadd.s32 s13, s4;
	s13 =	simm.s32 $0x4400;
	s16 =	sadd.s32 $0x1400, s0  }
0x18: {  	s7 =	sadd.s32 $0x1C00, s0;
	s8 =	sadd.s32 $0x2400, s0;
	s9 =	sadd.s32 $0x2C00, s0  }
0x19: {  	s10 =	sadd.s32 $0x3400, s0;
	s0 =	sadd.s32 $0x4E3400, s17;
	[dreg:$0x10] =	wrdreg s16  }
0x1a: {  	s4 =	sshrl.u32 s4, $0x3;
	s17 =	simm.s32 $0x4500;
	[dreg:$0x4] =	wrdreg s0  }
0x1b: {  	s4 =	sadd.s32 s4, s2;
	s16 =	simm.s32 $0x4480;
	s0 =	simm.s32 $0x0  }
.LBB2_1:
0x1c: {  	s2 =	rddreg [dreg:$0xf]  }
0x1d: {  	[tilespmem:s13], [sflag:$0x3] =	stream.linear.gather [hbm4b:s2+s3], $0x400, $0x38;
	[tilespmem:$0x18800] =	vst v63  }
0x1e: {  	_ =	swait.ge [sflag:s14], $0x400  }
0x1f: {  	[sflag:s14] =	ssyncset.done $0x0  }
0x20: {  	s12 =	rddreg [dreg:$0xe];
	[sflag:s14] =	ssyncadd.s32 $0xFFFFFC00  }
0x21: {  	[tilespmem:s3], [sflag:$0x3] =	stream.linear.gather [hbm4b:s12+s3], $0x4000, $0x38;
	[tilespmem:$0x18800] =	vst v63  }
0x22: {  	_ =	swait.ge [sflag:s14], $0x4000  }
0x23: {  	[sflag:s14] =	ssyncset.done $0x0  }
0x24: {  	[sflag:s14] =	ssyncadd.s32 $0xFFFFC000  }
0x25: {  	[spmem:s1] =	stream.indirect.scatter [tilespmem:s3], [sflag:$0x3], $0x80, s13, s15, $0xb8;
	[tilespmem:$0x18800] =	vst v63  }
0x26: {  	_ =	swait.ge [sflag:s14], $0x4000  }
0x27: {  	[sflag:s14] =	ssyncset.done $0x0  }
0x28: {  	[sflag:s14] =	ssyncadd.s32 $0xFFFFC000  }
0x29: {  	[spmem:s1] =	stream.indirect.scatter [tilespmem:s3], [sflag:$0x3], $0x80, s16, s15, $0xb8;
	[tilespmem:$0x18800] =	vst v63  }
0x2a: {  	_ =	swait.ge [sflag:s14], $0x4000  }
0x2b: {  	[sflag:s14] =	ssyncset.done $0x0  }
0x2c: {  	[sflag:s14] =	ssyncadd.s32 $0xFFFFC000  }
0x2d: {  	[spmem:s1] =	stream.indirect.scatter [tilespmem:s3], [sflag:$0x3], $0x80, s17, s15, $0xb8;
	[tilespmem:$0x18800] =	vst v63  }
0x2e: {  	_ =	swait.ge [sflag:s14], $0x4000  }
0x2f: {  	[sflag:s14] =	ssyncset.done $0x0  }
0x30: {  	[sflag:s14] =	ssyncadd.s32 $0xFFFFC000  }
0x31: {  	[spmem:s1] =	stream.indirect.scatter [tilespmem:s3], [sflag:$0x3], $0x80, s18, s15, $0xb8;
	[tilespmem:$0x18800] =	vst v63  }
0x32: {  	_ =	swait.ge [sflag:s14], $0x4000  }
0x33: {  	[sflag:s14] =	ssyncset.done $0x0  }
0x34: {  	[sflag:s14] =	ssyncadd.s32 $0xFFFFC000  }
0x35: {  	[spmem:s1] =	stream.indirect.scatter [tilespmem:s3], [sflag:$0x3], $0x80, s19, s15, $0xb8;
	[tilespmem:$0x18800] =	vst v63  }
0x36: {  	_ =	swait.ge [sflag:s14], $0x4000  }
0x37: {  	[sflag:s14] =	ssyncset.done $0x0  }
0x38: {  	[sflag:s14] =	ssyncadd.s32 $0xFFFFC000  }
0x39: {  	[bflag:$0x0] =	sbarrier.arrive $0xFFFF  }
0x3a: {  	[tilespmem:s20], [sflag:$0x3] =	stream.linear.gather [hbm4b:s4+s3], $0x400, $0x38;
	[tilespmem:$0x18800] =	vst v63  }
0x3b: {  	_ =	swait.ge [sflag:s14], $0x400  }
0x3c: {  	s5 =	rddreg [dreg:$0x4];
	[sflag:s14] =	ssyncset.done $0x0  }
0x3d: {  	[sflag:s14] =	ssyncadd.s32 $0xFFFFFC00;
	s2 =	sadd.s32 $0x0, s5  }
0x3e: {  	[tilespmem:s3], [sflag:$0x1] =	stream.linear.gather [hbm4b:s2+s3], $0x2000, $0x38;
	[tilespmem:$0x18800] =	vst v63  }
0x3f: {  	s5 =	sadd.s32 $0x400, s2  }
0x40: {  	[tilespmem:s21], [sflag:$0x2] =	stream.linear.gather [hbm4b:s5+s3], $0x2000, $0x38;
	[tilespmem:$0x18800] =	vst v63  }
0x41: {  	_ =	swait.ge [sflag:s22], $0x2000  }
0x42: {  	[sflag:s22] =	ssyncset.done $0x0  }
0x43: {  	[sflag:s22] =	ssyncadd.s32 $0xFFFFE000  }
0x44: {  	[spmem:s1] =	stream.indirect.scatter.add.f32 [tilespmem:s3], [sflag:$0x3], $0x80, s20, s23, $0xb8;
	[tilespmem:$0x18800] =	vst v63  }
0x45: {  	_ =	swait.ge [sflag:s14], $0x2000  }
0x46: {  	[sflag:s14] =	ssyncset.done $0x0  }
0x47: {  	s6 =	sadd.s32 $0x800, s2;
	[sflag:s14] =	ssyncadd.s32 $0xFFFFE000  }
0x48: {  	[tilespmem:s3], [sflag:$0x1] =	stream.linear.gather [hbm4b:s6+s3], $0x2000, $0x38;
	[tilespmem:$0x18800] =	vst v63  }
0x49: {  	_ =	swait.ge [sflag:s24], $0x2000  }
0x4a: {  	[sflag:s24] =	ssyncset.done $0x0  }
0x4b: {  	s12 =	rddreg [dreg:$0x5];
	[sflag:s24] =	ssyncadd.s32 $0xFFFFE000  }
0x4c: {  	[spmem:s1] =	stream.indirect.scatter.add.f32 [tilespmem:s21], [sflag:$0x3], $0x80, s12, s23, $0xb8;
	[tilespmem:$0x18800] =	vst v63  }
0x4d: {  	_ =	swait.ge [sflag:s14], $0x2000  }
0x4e: {  	[sflag:s14] =	ssyncset.done $0x0  }
0x4f: {  	s6 =	sadd.s32 $0xC00, s2;
	[sflag:s14] =	ssyncadd.s32 $0xFFFFE000  }
0x50: {  	[tilespmem:s21], [sflag:$0x2] =	stream.linear.gather [hbm4b:s6+s3], $0x2000, $0x38;
	[tilespmem:$0x18800] =	vst v63  }
0x51: {  	_ =	swait.ge [sflag:s22], $0x2000  }
0x52: {  	[sflag:s22] =	ssyncset.done $0x0  }
0x53: {  	s12 =	rddreg [dreg:$0x6];
	[sflag:s22] =	ssyncadd.s32 $0xFFFFE000  }
0x54: {  	[spmem:s1] =	stream.indirect.scatter.add.f32 [tilespmem:s3], [sflag:$0x3], $0x80, s12, s23, $0xb8;
	[tilespmem:$0x18800] =	vst v63  }
0x55: {  	_ =	swait.ge [sflag:s14], $0x2000  }
0x56: {  	[sflag:s14] =	ssyncset.done $0x0  }
0x57: {  	s6 =	sadd.s32 $0x1000, s2;
	[sflag:s14] =	ssyncadd.s32 $0xFFFFE000  }
0x58: {  	[tilespmem:s3], [sflag:$0x1] =	stream.linear.gather [hbm4b:s6+s3], $0x2000, $0x38;
	[tilespmem:$0x18800] =	vst v63  }
0x59: {  	_ =	swait.ge [sflag:s24], $0x2000  }
0x5a: {  	[sflag:s24] =	ssyncset.done $0x0  }
0x5b: {  	s12 =	rddreg [dreg:$0x7];
	[sflag:s24] =	ssyncadd.s32 $0xFFFFE000  }
0x5c: {  	[spmem:s1] =	stream.indirect.scatter.add.f32 [tilespmem:s21], [sflag:$0x3], $0x80, s12, s23, $0xb8;
	[tilespmem:$0x18800] =	vst v63  }
0x5d: {  	_ =	swait.ge [sflag:s14], $0x2000  }
0x5e: {  	[sflag:s14] =	ssyncset.done $0x0  }
0x5f: {  	s6 =	sadd.s32 $0x1400, s2;
	[sflag:s14] =	ssyncadd.s32 $0xFFFFE000  }
0x60: {  	[tilespmem:s21], [sflag:$0x2] =	stream.linear.gather [hbm4b:s6+s3], $0x2000, $0x38;
	[tilespmem:$0x18800] =	vst v63  }
0x61: {  	_ =	swait.ge [sflag:s22], $0x2000  }
0x62: {  	[sflag:s22] =	ssyncset.done $0x0  }
0x63: {  	s12 =	rddreg [dreg:$0x8];
	[sflag:s22] =	ssyncadd.s32 $0xFFFFE000  }
0x64: {  	[spmem:s1] =	stream.indirect.scatter.add.f32 [tilespmem:s3], [sflag:$0x3], $0x80, s12, s23, $0xb8;
	[tilespmem:$0x18800] =	vst v63  }
0x65: {  	_ =	swait.ge [sflag:s14], $0x2000  }
0x66: {  	[sflag:s14] =	ssyncset.done $0x0  }
0x67: {  	s6 =	sadd.s32 $0x1800, s2;
	[sflag:s14] =	ssyncadd.s32 $0xFFFFE000  }
0x68: {  	[tilespmem:s3], [sflag:$0x1] =	stream.linear.gather [hbm4b:s6+s3], $0x2000, $0x38;
	[tilespmem:$0x18800] =	vst v63  }
0x69: {  	_ =	swait.ge [sflag:s24], $0x2000  }
0x6a: {  	[sflag:s24] =	ssyncset.done $0x0  }
0x6b: {  	s12 =	rddreg [dreg:$0x9];
	[sflag:s24] =	ssyncadd.s32 $0xFFFFE000  }
0x6c: {  	[spmem:s1] =	stream.indirect.scatter.add.f32 [tilespmem:s21], [sflag:$0x3], $0x80, s12, s23, $0xb8;
	[tilespmem:$0x18800] =	vst v63  }
0x6d: {  	_ =	swait.ge [sflag:s14], $0x2000  }
0x6e: {  	[sflag:s14] =	ssyncset.done $0x0  }
0x6f: {  	s6 =	sadd.s32 $0x1C00, s2;
	[sflag:s14] =	ssyncadd.s32 $0xFFFFE000  }
0x70: {  	[tilespmem:s21], [sflag:$0x2] =	stream.linear.gather [hbm4b:s6+s3], $0x2000, $0x38;
	[tilespmem:$0x18800] =	vst v63  }
0x71: {  	_ =	swait.ge [sflag:s22], $0x2000  }
0x72: {  	[sflag:s22] =	ssyncset.done $0x0  }
0x73: {  	s12 =	rddreg [dreg:$0xa];
	[sflag:s22] =	ssyncadd.s32 $0xFFFFE000  }
0x74: {  	[spmem:s1] =	stream.indirect.scatter.add.f32 [tilespmem:s3], [sflag:$0x3], $0x80, s12, s23, $0xb8;
	[tilespmem:$0x18800] =	vst v63  }
0x75: {  	_ =	swait.ge [sflag:s14], $0x2000  }
0x76: {  	[sflag:s14] =	ssyncset.done $0x0  }
0x77: {  	s6 =	sadd.s32 $0x2000, s2;
	[sflag:s14] =	ssyncadd.s32 $0xFFFFE000  }
0x78: {  	[tilespmem:s3], [sflag:$0x1] =	stream.linear.gather [hbm4b:s6+s3], $0x2000, $0x38;
	[tilespmem:$0x18800] =	vst v63  }
0x79: {  	_ =	swait.ge [sflag:s24], $0x2000  }
0x7a: {  	[sflag:s24] =	ssyncset.done $0x0  }
0x7b: {  	s12 =	rddreg [dreg:$0xb];
	[sflag:s24] =	ssyncadd.s32 $0xFFFFE000  }
0x7c: {  	[spmem:s1] =	stream.indirect.scatter.add.f32 [tilespmem:s21], [sflag:$0x3], $0x80, s12, s23, $0xb8;
	[tilespmem:$0x18800] =	vst v63  }
0x7d: {  	_ =	swait.ge [sflag:s14], $0x2000  }
0x7e: {  	[sflag:s14] =	ssyncset.done $0x0  }
0x7f: {  	s6 =	sadd.s32 $0x2400, s2;
	[sflag:s14] =	ssyncadd.s32 $0xFFFFE000  }
0x80: {  	[tilespmem:s21], [sflag:$0x2] =	stream.linear.gather [hbm4b:s6+s3], $0x2000, $0x38;
	[tilespmem:$0x18800] =	vst v63  }
0x81: {  	_ =	swait.ge [sflag:s22], $0x2000  }
0x82: {  	[sflag:s22] =	ssyncset.done $0x0  }
0x83: {  	s12 =	rddreg [dreg:$0xc];
	[sflag:s22] =	ssyncadd.s32 $0xFFFFE000  }
0x84: {  	[spmem:s1] =	stream.indirect.scatter.add.f32 [tilespmem:s3], [sflag:$0x3], $0x80, s12, s23, $0xb8;
	[tilespmem:$0x18800] =	vst v63  }
0x85: {  	_ =	swait.ge [sflag:s14], $0x2000  }
0x86: {  	[sflag:s14] =	ssyncset.done $0x0  }
0x87: {  	s6 =	sadd.s32 $0x2800, s2;
	[sflag:s14] =	ssyncadd.s32 $0xFFFFE000  }
0x88: {  	[tilespmem:s3], [sflag:$0x1] =	stream.linear.gather [hbm4b:s6+s3], $0x2000, $0x38;
	[tilespmem:$0x18800] =	vst v63  }
0x89: {  	_ =	swait.ge [sflag:s24], $0x2000  }
0x8a: {  	[sflag:s24] =	ssyncset.done $0x0  }
0x8b: {  	s12 =	rddreg [dreg:$0xd];
	[sflag:s24] =	ssyncadd.s32 $0xFFFFE000  }
0x8c: {  	[spmem:s1] =	stream.indirect.scatter.add.f32 [tilespmem:s21], [sflag:$0x3], $0x80, s12, s23, $0xb8;
	[tilespmem:$0x18800] =	vst v63  }
0x8d: {  	_ =	swait.ge [sflag:s14], $0x2000  }
0x8e: {  	[sflag:s14] =	ssyncset.done $0x0  }
0x8f: {  	s6 =	sadd.s32 $0x2C00, s2;
	[sflag:s14] =	ssyncadd.s32 $0xFFFFE000  }
0x90: {  	[tilespmem:s21], [sflag:$0x2] =	stream.linear.gather [hbm4b:s6+s3], $0x2000, $0x38;
	[tilespmem:$0x18800] =	vst v63  }
0x91: {  	_ =	swait.ge [sflag:s22], $0x2000  }
0x92: {  	[sflag:s22] =	ssyncset.done $0x0  }
0x93: {  	[sflag:s22] =	ssyncadd.s32 $0xFFFFE000  }
0x94: {  	[spmem:s1] =	stream.indirect.scatter.add.f32 [tilespmem:s3], [sflag:$0x3], $0x80, s25, s23, $0xb8;
	[tilespmem:$0x18800] =	vst v63  }
0x95: {  	_ =	swait.ge [sflag:s14], $0x2000  }
0x96: {  	[sflag:s14] =	ssyncset.done $0x0  }
0x97: {  	s12 =	sadd.s32 $0x3000, s2;
	[sflag:s14] =	ssyncadd.s32 $0xFFFFE000  }
0x98: {  	[tilespmem:s3], [sflag:$0x1] =	stream.linear.gather [hbm4b:s12+s3], $0x2000, $0x38;
	[tilespmem:$0x18800] =	vst v63  }
0x99: {  	_ =	swait.ge [sflag:s24], $0x2000  }
0x9a: {  	[sflag:s24] =	ssyncset.done $0x0  }
0x9b: {  	[sflag:s24] =	ssyncadd.s32 $0xFFFFE000  }
0x9c: {  	[spmem:s1] =	stream.indirect.scatter.add.f32 [tilespmem:s21], [sflag:$0x3], $0x80, s26, s23, $0xb8;
	[tilespmem:$0x18800] =	vst v63  }
0x9d: {  	_ =	swait.ge [sflag:s14], $0x2000  }
0x9e: {  	[sflag:s14] =	ssyncset.done $0x0  }
0x9f: {  	s6 =	sadd.s32 $0x3400, s2;
	[sflag:s14] =	ssyncadd.s32 $0xFFFFE000  }
0xa0: {  	[tilespmem:s21], [sflag:$0x2] =	stream.linear.gather [hbm4b:s6+s3], $0x2000, $0x38;
	[tilespmem:$0x18800] =	vst v63  }
0xa1: {  	_ =	swait.ge [sflag:s22], $0x2000  }
0xa2: {  	[sflag:s22] =	ssyncset.done $0x0  }
0xa3: {  	[sflag:s22] =	ssyncadd.s32 $0xFFFFE000  }
0xa4: {  	[spmem:s1] =	stream.indirect.scatter.add.f32 [tilespmem:s3], [sflag:$0x3], $0x80, s28, s23, $0xb8;
	[tilespmem:$0x18800] =	vst v63  }
0xa5: {  	_ =	swait.ge [sflag:s14], $0x2000  }
0xa6: {  	[sflag:s14] =	ssyncset.done $0x0  }
0xa7: {  	s12 =	sadd.s32 $0x3800, s2;
	[sflag:s14] =	ssyncadd.s32 $0xFFFFE000  }
0xa8: {  	[tilespmem:s3], [sflag:$0x1] =	stream.linear.gather [hbm4b:s12+s3], $0x2000, $0x38;
	[tilespmem:$0x18800] =	vst v63  }
0xa9: {  	_ =	swait.ge [sflag:s24], $0x2000  }
0xaa: {  	[sflag:s24] =	ssyncset.done $0x0  }
0xab: {  	[sflag:s24] =	ssyncadd.s32 $0xFFFFE000  }
0xac: {  	[spmem:s1] =	stream.indirect.scatter.add.f32 [tilespmem:s21], [sflag:$0x3], $0x80, s29, s23, $0xb8;
	[tilespmem:$0x18800] =	vst v63  }
0xad: {  	_ =	swait.ge [sflag:s14], $0x2000  }
0xae: {  	[sflag:s14] =	ssyncset.done $0x0  }
0xaf: {  	s2 =	sadd.s32 $0x3C00, s2;
	[sflag:s14] =	ssyncadd.s32 $0xFFFFE000  }
0xb0: {  	[tilespmem:s21], [sflag:$0x2] =	stream.linear.gather [hbm4b:s2+s3], $0x2000, $0x38;
	[tilespmem:$0x18800] =	vst v63  }
0xb1: {  	_ =	swait.ge [sflag:s22], $0x2000  }
0xb2: {  	[sflag:s22] =	ssyncset.done $0x0  }
0xb3: {  	[sflag:s22] =	ssyncadd.s32 $0xFFFFE000  }
0xb4: {  	[spmem:s1] =	stream.indirect.scatter.add.f32 [tilespmem:s3], [sflag:$0x3], $0x80, s30, s23, $0xb8;
	[tilespmem:$0x18800] =	vst v63  }
0xb5: {  	_ =	swait.ge [sflag:s14], $0x2000  }
0xb6: {  	[sflag:s14] =	ssyncset.done $0x0  }
0xb7: {  	[sflag:s14] =	ssyncadd.s32 $0xFFFFE000  }
0xb8: {  	_ =	swait.ge [sflag:s24], $0x2000  }
0xb9: {  	[sflag:s24] =	ssyncset.done $0x0  }
0xba: {  	[sflag:s24] =	ssyncadd.s32 $0xFFFFE000  }
0xbb: {  	[spmem:s1] =	stream.indirect.scatter.add.f32 [tilespmem:s21], [sflag:$0x3], $0x80, s31, s23, $0xb8;
	[tilespmem:$0x18800] =	vst v63  }
0xbc: {  	_ =	swait.ge [sflag:s14], $0x2000  }
0xbd: {  	s12 =	smov.u32 s4;
	s2 =	simm.s32 $0x4000;
	[sflag:s14] =	ssyncset.done $0x0  }
.LBB2_2:
0xbe: {  	[sflag:s14] =	ssyncadd.s32 $0xFFFFE000;
	s12 =	sadd.s32 $0x80, s12  }
0xbf: {  	[tilespmem:s20], [sflag:$0x3] =	stream.linear.gather [hbm4b:s12+s3], $0x400, $0x38;
	[tilespmem:$0x18800] =	vst v63  }
0xc0: {  	_ =	swait.ge [sflag:s14], $0x400  }
0xc1: {  	s5 =	smov.u32 s2;
	s6 =	rddreg [dreg:$0x4];
	[sflag:s14] =	ssyncset.done $0x0  }
0xc2: {  	[sflag:s14] =	ssyncadd.s32 $0xFFFFFC00;
	s5 =	sadd.s32 s5, s6  }
0xc3: {  	[tilespmem:s3], [sflag:$0x1] =	stream.linear.gather [hbm4b:s5+s3], $0x2000, $0x38;
	[tilespmem:$0x18800] =	vst v63  }
0xc4: {  	s6 =	sadd.s32 $0x400, s5  }
0xc5: {  	[tilespmem:s21], [sflag:$0x2] =	stream.linear.gather [hbm4b:s6+s3], $0x2000, $0x38;
	[tilespmem:$0x18800] =	vst v63  }
0xc6: {  	_ =	swait.ge [sflag:s22], $0x2000  }
0xc7: {  	[sflag:s22] =	ssyncset.done $0x0  }
0xc8: {  	[sflag:s22] =	ssyncadd.s32 $0xFFFFE000  }
0xc9: {  	[spmem:s1] =	stream.indirect.scatter.add.f32 [tilespmem:s3], [sflag:$0x3], $0x80, s20, s23, $0xb8;
	[tilespmem:$0x18800] =	vst v63  }
0xca: {  	_ =	swait.ge [sflag:s14], $0x2000  }
0xcb: {  	[sflag:s14] =	ssyncset.done $0x0  }
0xcc: {  	s6 =	sadd.s32 $0x800, s5;
	[sflag:s14] =	ssyncadd.s32 $0xFFFFE000  }
0xcd: {  	[tilespmem:s3], [sflag:$0x1] =	stream.linear.gather [hbm4b:s6+s3], $0x2000, $0x38;
	[tilespmem:$0x18800] =	vst v63  }
0xce: {  	_ =	swait.ge [sflag:s24], $0x2000  }
0xcf: {  	[sflag:s24] =	ssyncset.done $0x0  }
0xd0: {  	s6 =	rddreg [dreg:$0x5];
	[sflag:s24] =	ssyncadd.s32 $0xFFFFE000  }
0xd1: {  	[spmem:s1] =	stream.indirect.scatter.add.f32 [tilespmem:s21], [sflag:$0x3], $0x80, s6, s23, $0xb8;
	[tilespmem:$0x18800] =	vst v63  }
0xd2: {  	_ =	swait.ge [sflag:s14], $0x2000  }
0xd3: {  	[sflag:s14] =	ssyncset.done $0x0  }
0xd4: {  	s6 =	sadd.s32 $0xC00, s5;
	[sflag:s14] =	ssyncadd.s32 $0xFFFFE000  }
0xd5: {  	[tilespmem:s21], [sflag:$0x2] =	stream.linear.gather [hbm4b:s6+s3], $0x2000, $0x38;
	[tilespmem:$0x18800] =	vst v63  }
0xd6: {  	_ =	swait.ge [sflag:s22], $0x2000  }
0xd7: {  	[sflag:s22] =	ssyncset.done $0x0  }
0xd8: {  	s6 =	rddreg [dreg:$0x6];
	[sflag:s22] =	ssyncadd.s32 $0xFFFFE000  }
0xd9: {  	[spmem:s1] =	stream.indirect.scatter.add.f32 [tilespmem:s3], [sflag:$0x3], $0x80, s6, s23, $0xb8;
	[tilespmem:$0x18800] =	vst v63  }
0xda: {  	_ =	swait.ge [sflag:s14], $0x2000  }
0xdb: {  	[sflag:s14] =	ssyncset.done $0x0  }
0xdc: {  	s6 =	sadd.s32 $0x1000, s5;
	[sflag:s14] =	ssyncadd.s32 $0xFFFFE000  }
0xdd: {  	[tilespmem:s3], [sflag:$0x1] =	stream.linear.gather [hbm4b:s6+s3], $0x2000, $0x38;
	[tilespmem:$0x18800] =	vst v63  }
0xde: {  	_ =	swait.ge [sflag:s24], $0x2000  }
0xdf: {  	[sflag:s24] =	ssyncset.done $0x0  }
0xe0: {  	s6 =	rddreg [dreg:$0x7];
	[sflag:s24] =	ssyncadd.s32 $0xFFFFE000  }
0xe1: {  	[spmem:s1] =	stream.indirect.scatter.add.f32 [tilespmem:s21], [sflag:$0x3], $0x80, s6, s23, $0xb8;
	[tilespmem:$0x18800] =	vst v63  }
0xe2: {  	_ =	swait.ge [sflag:s14], $0x2000  }
0xe3: {  	[sflag:s14] =	ssyncset.done $0x0  }
0xe4: {  	s6 =	sadd.s32 $0x1400, s5;
	[sflag:s14] =	ssyncadd.s32 $0xFFFFE000  }
0xe5: {  	[tilespmem:s21], [sflag:$0x2] =	stream.linear.gather [hbm4b:s6+s3], $0x2000, $0x38;
	[tilespmem:$0x18800] =	vst v63  }
0xe6: {  	_ =	swait.ge [sflag:s22], $0x2000  }
0xe7: {  	[sflag:s22] =	ssyncset.done $0x0  }
0xe8: {  	s6 =	rddreg [dreg:$0x8];
	[sflag:s22] =	ssyncadd.s32 $0xFFFFE000  }
0xe9: {  	[spmem:s1] =	stream.indirect.scatter.add.f32 [tilespmem:s3], [sflag:$0x3], $0x80, s6, s23, $0xb8;
	[tilespmem:$0x18800] =	vst v63  }
0xea: {  	_ =	swait.ge [sflag:s14], $0x2000  }
0xeb: {  	[sflag:s14] =	ssyncset.done $0x0  }
0xec: {  	s6 =	sadd.s32 $0x1800, s5;
	[sflag:s14] =	ssyncadd.s32 $0xFFFFE000  }
0xed: {  	[tilespmem:s3], [sflag:$0x1] =	stream.linear.gather [hbm4b:s6+s3], $0x2000, $0x38;
	[tilespmem:$0x18800] =	vst v63  }
0xee: {  	_ =	swait.ge [sflag:s24], $0x2000  }
0xef: {  	[sflag:s24] =	ssyncset.done $0x0  }
0xf0: {  	s6 =	rddreg [dreg:$0x9];
	[sflag:s24] =	ssyncadd.s32 $0xFFFFE000  }
0xf1: {  	[spmem:s1] =	stream.indirect.scatter.add.f32 [tilespmem:s21], [sflag:$0x3], $0x80, s6, s23, $0xb8;
	[tilespmem:$0x18800] =	vst v63  }
0xf2: {  	_ =	swait.ge [sflag:s14], $0x2000  }
0xf3: {  	[sflag:s14] =	ssyncset.done $0x0  }
0xf4: {  	s6 =	sadd.s32 $0x1C00, s5;
	[sflag:s14] =	ssyncadd.s32 $0xFFFFE000  }
0xf5: {  	[tilespmem:s21], [sflag:$0x2] =	stream.linear.gather [hbm4b:s6+s3], $0x2000, $0x38;
	[tilespmem:$0x18800] =	vst v63  }
0xf6: {  	_ =	swait.ge [sflag:s22], $0x2000  }
0xf7: {  	[sflag:s22] =	ssyncset.done $0x0  }
0xf8: {  	s6 =	rddreg [dreg:$0xa];
	[sflag:s22] =	ssyncadd.s32 $0xFFFFE000  }
0xf9: {  	[spmem:s1] =	stream.indirect.scatter.add.f32 [tilespmem:s3], [sflag:$0x3], $0x80, s6, s23, $0xb8;
	[tilespmem:$0x18800] =	vst v63  }
0xfa: {  	_ =	swait.ge [sflag:s14], $0x2000  }
0xfb: {  	[sflag:s14] =	ssyncset.done $0x0  }
0xfc: {  	s6 =	sadd.s32 $0x2000, s5;
	[sflag:s14] =	ssyncadd.s32 $0xFFFFE000  }
0xfd: {  	[tilespmem:s3], [sflag:$0x1] =	stream.linear.gather [hbm4b:s6+s3], $0x2000, $0x38;
	[tilespmem:$0x18800] =	vst v63  }
0xfe: {  	_ =	swait.ge [sflag:s24], $0x2000  }
0xff: {  	[sflag:s24] =	ssyncset.done $0x0  }
0x100: {  	s6 =	rddreg [dreg:$0xb];
	[sflag:s24] =	ssyncadd.s32 $0xFFFFE000  }
0x101: {  	[spmem:s1] =	stream.indirect.scatter.add.f32 [tilespmem:s21], [sflag:$0x3], $0x80, s6, s23, $0xb8;
	[tilespmem:$0x18800] =	vst v63  }
0x102: {  	_ =	swait.ge [sflag:s14], $0x2000  }
0x103: {  	[sflag:s14] =	ssyncset.done $0x0  }
0x104: {  	s6 =	sadd.s32 $0x2400, s5;
	[sflag:s14] =	ssyncadd.s32 $0xFFFFE000  }
0x105: {  	[tilespmem:s21], [sflag:$0x2] =	stream.linear.gather [hbm4b:s6+s3], $0x2000, $0x38;
	[tilespmem:$0x18800] =	vst v63  }
0x106: {  	_ =	swait.ge [sflag:s22], $0x2000  }
0x107: {  	[sflag:s22] =	ssyncset.done $0x0  }
0x108: {  	s6 =	rddreg [dreg:$0xc];
	[sflag:s22] =	ssyncadd.s32 $0xFFFFE000  }
0x109: {  	[spmem:s1] =	stream.indirect.scatter.add.f32 [tilespmem:s3], [sflag:$0x3], $0x80, s6, s23, $0xb8;
	[tilespmem:$0x18800] =	vst v63  }
0x10a: {  	_ =	swait.ge [sflag:s14], $0x2000  }
0x10b: {  	[sflag:s14] =	ssyncset.done $0x0  }
0x10c: {  	s6 =	sadd.s32 $0x2800, s5;
	[sflag:s14] =	ssyncadd.s32 $0xFFFFE000  }
0x10d: {  	[tilespmem:s3], [sflag:$0x1] =	stream.linear.gather [hbm4b:s6+s3], $0x2000, $0x38;
	[tilespmem:$0x18800] =	vst v63  }
0x10e: {  	_ =	swait.ge [sflag:s24], $0x2000  }
0x10f: {  	[sflag:s24] =	ssyncset.done $0x0  }
0x110: {  	s6 =	rddreg [dreg:$0xd];
	[sflag:s24] =	ssyncadd.s32 $0xFFFFE000  }
0x111: {  	[spmem:s1] =	stream.indirect.scatter.add.f32 [tilespmem:s21], [sflag:$0x3], $0x80, s6, s23, $0xb8;
	[tilespmem:$0x18800] =	vst v63  }
0x112: {  	_ =	swait.ge [sflag:s14], $0x2000  }
0x113: {  	[sflag:s14] =	ssyncset.done $0x0  }
0x114: {  	s6 =	sadd.s32 $0x2C00, s5;
	[sflag:s14] =	ssyncadd.s32 $0xFFFFE000  }
0x115: {  	[tilespmem:s21], [sflag:$0x2] =	stream.linear.gather [hbm4b:s6+s3], $0x2000, $0x38;
	[tilespmem:$0x18800] =	vst v63  }
0x116: {  	_ =	swait.ge [sflag:s22], $0x2000  }
0x117: {  	[sflag:s22] =	ssyncset.done $0x0  }
0x118: {  	[sflag:s22] =	ssyncadd.s32 $0xFFFFE000  }
0x119: {  	[spmem:s1] =	stream.indirect.scatter.add.f32 [tilespmem:s3], [sflag:$0x3], $0x80, s25, s23, $0xb8;
	[tilespmem:$0x18800] =	vst v63  }
0x11a: {  	_ =	swait.ge [sflag:s14], $0x2000  }
0x11b: {  	[sflag:s14] =	ssyncset.done $0x0  }
0x11c: {  	s6 =	sadd.s32 $0x3000, s5;
	[sflag:s14] =	ssyncadd.s32 $0xFFFFE000  }
0x11d: {  	[tilespmem:s3], [sflag:$0x1] =	stream.linear.gather [hbm4b:s6+s3], $0x2000, $0x38;
	[tilespmem:$0x18800] =	vst v63  }
0x11e: {  	_ =	swait.ge [sflag:s24], $0x2000  }
0x11f: {  	[sflag:s24] =	ssyncset.done $0x0  }
0x120: {  	[sflag:s24] =	ssyncadd.s32 $0xFFFFE000  }
0x121: {  	[spmem:s1] =	stream.indirect.scatter.add.f32 [tilespmem:s21], [sflag:$0x3], $0x80, s26, s23, $0xb8;
	[tilespmem:$0x18800] =	vst v63  }
0x122: {  	_ =	swait.ge [sflag:s14], $0x2000  }
0x123: {  	[sflag:s14] =	ssyncset.done $0x0  }
0x124: {  	s6 =	sadd.s32 $0x3400, s5;
	[sflag:s14] =	ssyncadd.s32 $0xFFFFE000  }
0x125: {  	[tilespmem:s21], [sflag:$0x2] =	stream.linear.gather [hbm4b:s6+s3], $0x2000, $0x38;
	[tilespmem:$0x18800] =	vst v63  }
0x126: {  	_ =	swait.ge [sflag:s22], $0x2000  }
0x127: {  	[sflag:s22] =	ssyncset.done $0x0  }
0x128: {  	[sflag:s22] =	ssyncadd.s32 $0xFFFFE000  }
0x129: {  	[spmem:s1] =	stream.indirect.scatter.add.f32 [tilespmem:s3], [sflag:$0x3], $0x80, s28, s23, $0xb8;
	[tilespmem:$0x18800] =	vst v63  }
0x12a: {  	_ =	swait.ge [sflag:s14], $0x2000  }
0x12b: {  	[sflag:s14] =	ssyncset.done $0x0  }
0x12c: {  	s6 =	sadd.s32 $0x3800, s5;
	[sflag:s14] =	ssyncadd.s32 $0xFFFFE000  }
0x12d: {  	[tilespmem:s3], [sflag:$0x1] =	stream.linear.gather [hbm4b:s6+s3], $0x2000, $0x38;
	[tilespmem:$0x18800] =	vst v63  }
0x12e: {  	_ =	swait.ge [sflag:s24], $0x2000  }
0x12f: {  	[sflag:s24] =	ssyncset.done $0x0  }
0x130: {  	[sflag:s24] =	ssyncadd.s32 $0xFFFFE000  }
0x131: {  	[spmem:s1] =	stream.indirect.scatter.add.f32 [tilespmem:s21], [sflag:$0x3], $0x80, s29, s23, $0xb8;
	[tilespmem:$0x18800] =	vst v63  }
0x132: {  	_ =	swait.ge [sflag:s14], $0x2000  }
0x133: {  	[sflag:s14] =	ssyncset.done $0x0  }
0x134: {  	s5 =	sadd.s32 $0x3C00, s5;
	[sflag:s14] =	ssyncadd.s32 $0xFFFFE000  }
0x135: {  	[tilespmem:s21], [sflag:$0x2] =	stream.linear.gather [hbm4b:s5+s3], $0x2000, $0x38;
	[tilespmem:$0x18800] =	vst v63  }
0x136: {  	_ =	swait.ge [sflag:s22], $0x2000  }
0x137: {  	[sflag:s22] =	ssyncset.done $0x0  }
0x138: {  	[sflag:s22] =	ssyncadd.s32 $0xFFFFE000  }
0x139: {  	[spmem:s1] =	stream.indirect.scatter.add.f32 [tilespmem:s3], [sflag:$0x3], $0x80, s30, s23, $0xb8;
	[tilespmem:$0x18800] =	vst v63  }
0x13a: {  	_ =	swait.ge [sflag:s14], $0x2000  }
0x13b: {  	[sflag:s14] =	ssyncset.done $0x0  }
0x13c: {  	[sflag:s14] =	ssyncadd.s32 $0xFFFFE000  }
0x13d: {  	p0 =	sne.s32 s2, $0x24000;
	_ =	swait.ge [sflag:s24], $0x2000  }
.Ltmp0:
0x13e: {  	[sflag:s24] =	ssyncset.done $0x0;
	(pc) =	sbr.rel @p0 .LBB2_2-.Ltmp0, $4  }
0x13f: {  	[sflag:s24] =	ssyncadd.s32 $0xFFFFE000  }
0x140: {  	[spmem:s1] =	stream.indirect.scatter.add.f32 [tilespmem:s21], [sflag:$0x3], $0x80, s31, s23, $0xb8;
	[tilespmem:$0x18800] =	vst v63  }
0x141: {  	_ =	swait.ge [sflag:s14], $0x2000  }
0x142: {  	s2 =	sadd.s32 $0x4000, s2;
	[sflag:s14] =	ssyncset.done $0x0  }
0x143: {  	[sflag:s14] =	ssyncadd.s32 $0xFFFFE000  }
0x144: {  	[bflag:$0x0] =	sbarrier.arrive $0xFFFF  }
0x145: {  	[tilespmem:s3], [sflag:$0x3] =	stream.indirect.gather [spmem:s1], $0x80, s13, s15, $0xb8;
	[tilespmem:$0x18800] =	vst v63  }
0x146: {  	_ =	swait.ge [sflag:s14], $0x4000  }
0x147: {  	[sflag:s14] =	ssyncset.done $0x0  }
0x148: {  	s2 =	rddreg [dreg:$0x10];
	[sflag:s14] =	ssyncadd.s32 $0xFFFFC000  }
0x149: {  	[hbm4b:s2+s3] =	stream.linear.scatter [tilespmem:s3], [sflag:$0x3], $0x4000, $0x38;
	[tilespmem:$0x18800] =	vst v63  }
0x14a: {  	_ =	swait.ge [sflag:s14], $0x4000  }
0x14b: {  	[sflag:s14] =	ssyncset.done $0x0  }
0x14c: {  	[sflag:s14] =	ssyncadd.s32 $0xFFFFC000  }
0x14d: {  	[tilespmem:s3], [sflag:$0x3] =	stream.indirect.gather [spmem:s1], $0x80, s16, s15, $0xb8;
	[tilespmem:$0x18800] =	vst v63  }
0x14e: {  	_ =	swait.ge [sflag:s14], $0x4000  }
0x14f: {  	[sflag:s14] =	ssyncset.done $0x0  }
0x150: {  	[sflag:s14] =	ssyncadd.s32 $0xFFFFC000  }
0x151: {  	[hbm4b:s7+s3] =	stream.linear.scatter [tilespmem:s3], [sflag:$0x3], $0x4000, $0x38;
	[tilespmem:$0x18800] =	vst v63  }
0x152: {  	_ =	swait.ge [sflag:s14], $0x4000  }
0x153: {  	[sflag:s14] =	ssyncset.done $0x0  }
0x154: {  	[sflag:s14] =	ssyncadd.s32 $0xFFFFC000  }
0x155: {  	[tilespmem:s3], [sflag:$0x3] =	stream.indirect.gather [spmem:s1], $0x80, s17, s15, $0xb8;
	[tilespmem:$0x18800] =	vst v63  }
0x156: {  	_ =	swait.ge [sflag:s14], $0x4000  }
0x157: {  	[sflag:s14] =	ssyncset.done $0x0  }
0x158: {  	[sflag:s14] =	ssyncadd.s32 $0xFFFFC000  }
0x159: {  	[hbm4b:s8+s3] =	stream.linear.scatter [tilespmem:s3], [sflag:$0x3], $0x4000, $0x38;
	[tilespmem:$0x18800] =	vst v63  }
0x15a: {  	_ =	swait.ge [sflag:s14], $0x4000  }
0x15b: {  	[sflag:s14] =	ssyncset.done $0x0  }
0x15c: {  	[sflag:s14] =	ssyncadd.s32 $0xFFFFC000  }
0x15d: {  	[tilespmem:s3], [sflag:$0x3] =	stream.indirect.gather [spmem:s1], $0x80, s18, s15, $0xb8;
	[tilespmem:$0x18800] =	vst v63  }
0x15e: {  	_ =	swait.ge [sflag:s14], $0x4000  }
0x15f: {  	[sflag:s14] =	ssyncset.done $0x0  }
0x160: {  	[sflag:s14] =	ssyncadd.s32 $0xFFFFC000  }
0x161: {  	[hbm4b:s9+s3] =	stream.linear.scatter [tilespmem:s3], [sflag:$0x3], $0x4000, $0x38;
	[tilespmem:$0x18800] =	vst v63  }
0x162: {  	_ =	swait.ge [sflag:s14], $0x4000  }
0x163: {  	[sflag:s14] =	ssyncset.done $0x0  }
0x164: {  	[sflag:s14] =	ssyncadd.s32 $0xFFFFC000  }
0x165: {  	[tilespmem:s3], [sflag:$0x3] =	stream.indirect.gather [spmem:s1], $0x80, s19, s15, $0xb8;
	[tilespmem:$0x18800] =	vst v63  }
0x166: {  	s0 =	sadd.s32 $0x1, s0;
	_ =	swait.ge [sflag:s14], $0x4000  }
0x167: {  	p0 =	sne.s32 s0, s11;
	[sflag:s14] =	ssyncset.done $0x0  }
.Ltmp1:
0x168: {  	[sflag:s14] =	ssyncadd.s32 $0xFFFFC000;
	(pc) =	sbr.rel @p0 .LBB2_1-.Ltmp1, $4  }
0x169: {  	[hbm4b:s10+s3] =	stream.linear.scatter [tilespmem:s3], [sflag:$0x3], $0x4000, $0x38;
	[tilespmem:$0x18800] =	vst v63  }
0x16a: {  	_ =	swait.ge [sflag:s14], $0x4000  }
0x16b: {  	[sflag:s14] =	ssyncset.done $0x0  }
0x16c: {  	[sflag:s14] =	ssyncadd.s32 $0xFFFFC000  }
0x16d: {  	_ =	sfence.sel $0x180000  }
0x16e: {  	[bflag:$0x0] =	sbarrier.arrive $0xFFFF  }
0x16f: {  	_ =	strace $0x90000047  }
0x170: {  	s0 =	stileid.u32;
	[bflag:$0x2] =	sbarrier.arrive $0xFFFF  }
0x171: {  	p0 =	sne.s32 s0, $0x0;
	s0 =	rddreg [dreg:$0x3]  }
0x172: {  	s0 =	sadd.s32 @!p0 $0x100000, s0  }
0x173: {  	[sflag:s0] =	ssyncadd.tile.s32 @!p0 $0x1;
	_ =	shalt  }
.Lfunc_end2:
_tile_overlayer_lowered:
.L_overlay_start_2:
0x174: {  	(tag) =	ssettag $0x2  }
0x175: {  	s0 =	rddreg [dreg:$0x0];
	s2 =	stileid.u32  }
0x176: {  	s1 =	rddreg [dreg:$0x1];
	p0 =	sne.s32 s2, $0x0  }
0x177: {  	s3 =	rddreg [dreg:$0x2];
	[bflag:$0x3] =	sbarrier.arrive $0xFFFF;
	s2 =	simm.s32 @!p0 $0x1C03  }
0x178: {  	[timem:s3], [sflag:s2] =	dma.local @!p0 [hbm:s0], s1  }
0x179: {  	s0 =	simm.s32 @!p0 $0x3  }
0x17a: {  	_ =	swait.ge @!p0 [sflag:s0], s1  }
0x17b: {  	s1 =	ssub.s32 @!p0 $0x0, s1;
	[sflag:s0] =	ssyncset.done @!p0 $0x0  }
0x17c: {  	[sflag:s0] =	ssyncadd.s32 @!p0 s1  }
0x17d: {  	[bflag:$0x3] =	sbarrier.arrive $0xFFFF  }
0x17e: {  	_ =	shalt  }

</sc_bundles>
